<compile_context>
chip_gen: v7x
topology: tpu7x:2x2x1
jax: 0.10.2.dev20260603
libtpu: 0.0.44.dev20260713+nightly
codegen_flags: <defaults>
</compile_context>

<pallas_src>
import functools

import jax
import jax.numpy as jnp
from jax import lax
from jax.experimental import pallas as pl
from jax.experimental.pallas import tpu as pltpu
from jax.experimental.pallas import tpu_sc as plsc

NC = 2
NS = 16
LANES = 16
CH = 128
SG = 8
SW = 128


def _t_kernel(x_ref, wa_ref, wb_ref, tp_ref, tq_ref, *, hm):
    xb = x_ref[...]
    nb = xb.shape[0]
    tp_ref[:, :hm] = jnp.dot(xb, wa_ref[...],
                             preferred_element_type=jnp.float32)
    lane = lax.broadcasted_iota(jnp.int32, (nb, SW - hm), 1)
    tp_ref[:, hm:] = jnp.where(lane == 0, 1.0, 0.0)
    tq_ref[:, :hm] = jnp.dot(xb, wb_ref[...],
                             preferred_element_type=jnp.float32)
    tq_ref[:, hm:] = jnp.zeros((nb, SW - hm), jnp.float32)


def _r_kernel(eft_lo_ref, eft_hi_ref, we_ref, b_ref, r_ref, *, hm):
    dn = (((0,), (0,)), ((), ()))
    we = we_ref[...]
    b = b_ref[...]
    r_ref[:, :hm] = lax.dot_general(
        jnp.log1p(eft_lo_ref[...]), we, dn,
        preferred_element_type=jnp.float32) + b
    r_ref[:, hm:] = lax.dot_general(
        jnp.log1p(eft_hi_ref[...]), we, dn,
        preferred_element_type=jnp.float32) + b


def _fin_kernel(sp_ref, x_ref, wm2_ref, bm2_ref, wu1a_ref, wu1b_ref,
                bu1_ref, wu2_ref, bu2_ref, o_ref, *, hm):
    s = sp_ref[0, :, :hm] + sp_ref[1, :, :hm]
    deg = sp_ref[0, :, hm:hm + 1] + sp_ref[1, :, hm:hm + 1]
    agg = (jnp.dot(s, wm2_ref[...], preferred_element_type=jnp.float32)
           + deg * bm2_ref[...])
    h2 = jnp.maximum(
        jnp.dot(x_ref[...], wu1a_ref[...], preferred_element_type=jnp.float32)
        + jnp.dot(agg, wu1b_ref[...], preferred_element_type=jnp.float32)
        + bu1_ref[...], 0.0)
    o_ref[...] = (jnp.dot(h2, wu2_ref[...], preferred_element_type=jnp.float32)
                  + bu2_ref[...])


def _edge_sc(src3, dst3, dsts3, tp_tab, tq_tab, r2_tab, *, npad, hm, ep):
    nw = NC * NS
    ept = ep // nw
    k_chunks = ept // CH
    n_sg = k_chunks // SG
    rt = npad // NS
    nvr = hm // LANES
    hc = CH // 2

    mesh = plsc.VectorSubcoreMesh(core_axis_name="c", subcore_axis_name="s",
                                  num_cores=NC, num_subcores=NS)

    @functools.partial(
        pl.kernel, mesh=mesh,
        out_type=jax.ShapeDtypeStruct((NC * npad, SW), jnp.float32),
        scratch_types=[
            pltpu.VMEM((SG, CH), jnp.int32),
            pltpu.VMEM((SG, CH), jnp.int32),
            pltpu.VMEM((SG, CH), jnp.int32),
            pltpu.VMEM((CH, SW), jnp.float32),
            pltpu.VMEM((CH, SW), jnp.float32),
            pltpu.VMEM((CH // 2, SW), jnp.float32),
            pltpu.VMEM_SHARED((npad, SW), jnp.float32),
            pltpu.SemaphoreType.DMA,
            pltpu.SemaphoreType.DMA,
            pltpu.SemaphoreType.DMA,
            pltpu.SemaphoreType.DMA,
            pltpu.SemaphoreType.DMA,
        ],
    )
    def edge_kernel(src_hbm, dst_hbm, dsts_hbm, tp_hbm, tq_hbm, r_hbm,
                    out_hbm, src_v, dst_v, dsts_v, p_v, q_v, r_v, s_acc,
                    sem_p0, sem_q0, sem_p1, sem_q1, sem_r):
        c = lax.axis_index("c")
        s = lax.axis_index("s")
        wid = c * NS + s

        zero = jnp.zeros((LANES,), jnp.float32)

        def zero_row(i, _):
            for j in range(SW // LANES):
                p_v[i, pl.ds(j * LANES, LANES)] = zero
            return 0

        lax.fori_loop(0, CH, zero_row, 0)

        for t in range(rt // CH):
            pltpu.sync_copy(p_v, s_acc.at[pl.ds(s * rt + t * CH, CH)])

        plsc.subcore_barrier()

        def super_chunk(g, _):
            pltpu.sync_copy(src_hbm.at[wid, pl.ds(g * SG, SG)], src_v)
            pltpu.sync_copy(dst_hbm.at[wid, pl.ds(g * SG, SG)], dst_v)
            pltpu.sync_copy(dsts_hbm.at[wid, pl.ds(g * SG, SG)], dsts_v)

            def chunk(jj, _):
                rbase = (wid * k_chunks + g * SG + jj) * hc
                cp = pltpu.async_copy(tp_hbm.at[src_v.at[jj]], p_v, sem_p0)
                cq = pltpu.async_copy(tq_hbm.at[dst_v.at[jj]], q_v, sem_q0)
                cr = pltpu.async_copy(r_hbm.at[pl.ds(rbase, hc)], r_v, sem_r)
                cp.wait()
                cq.wait()
                cr.wait()

                def pair(k, _):
                    for half in range(2):
                        i = half * hc + k
                        for v in range(nvr):
                            sl = pl.ds(v * LANES, LANES)
                            p_v[i, sl] = jnp.maximum(
                                p_v[i, sl] + q_v[i, sl]
                                + r_v[k, pl.ds(half * hm + v * LANES, LANES)],
                                0.0)
                    return 0

                lax.fori_loop(0, hc, pair, 0)
                pltpu.sync_copy(p_v, s_acc.at[dsts_v.at[jj]], add=True)
                return 0

            lax.fori_loop(0, SG, chunk, 0)
            return 0

        lax.fori_loop(0, n_sg, super_chunk, 0)

        plsc.subcore_barrier()

        pltpu.sync_copy(s_acc.at[pl.ds(s * rt, rt)],
                        out_hbm.at[pl.ds(c * npad + s * rt, rt)])

    return edge_kernel(src3, dst3, dsts3, tp_tab, tq_tab, r2_tab)


def kernel(x, edge_features, Wm1, bm1, Wm2, bm2, Wu1, bu1, Wu2, bu2, edge_index):
    n, d = x.shape
    e, fe = edge_features.shape
    hm = Wm1.shape[1]
    dout = Wu2.shape[1]
    nw = NC * NS

    assert hm % LANES == 0 and 2 * hm == SW

    ep = -(-e // (nw * CH * SG)) * (nw * CH * SG)
    npad = -(-n // (NS * CH)) * (NS * CH)
    pad = ep - e
    e2 = ep // 2
    src_p = jnp.concatenate([edge_index[0], (jnp.arange(pad) * 37) % n])
    dst_p = jnp.concatenate([edge_index[1], (jnp.arange(pad) * 61) % n])
    dsts_p = jnp.concatenate(
        [edge_index[1], n + (jnp.arange(pad) % (npad - n))])

    bn = 2000
    assert n % bn == 0
    tp_tab, tq_tab = pl.pallas_call(
        functools.partial(_t_kernel, hm=hm),
        grid=(n // bn,),
        in_specs=[
            pl.BlockSpec((bn, d), lambda i: (i, 0)),
            pl.BlockSpec((d, hm), lambda i: (0, 0)),
            pl.BlockSpec((d, hm), lambda i: (0, 0)),
        ],
        out_specs=[
            pl.BlockSpec((bn, SW), lambda i: (i, 0)),
            pl.BlockSpec((bn, SW), lambda i: (i, 0)),
        ],
        out_shape=[
            jax.ShapeDtypeStruct((n, SW), jnp.float32),
            jax.ShapeDtypeStruct((n, SW), jnp.float32),
        ],
    )(x, Wm1[:d], Wm1[d:2 * d])

    eft = edge_features.T
    be = 1280
    assert e2 % be == 0 and e % be == 0
    nbe = e2 // be
    hi0 = e2 // be
    last_real = e // be - 1
    r2_tab = pl.pallas_call(
        functools.partial(_r_kernel, hm=hm),
        grid=(nbe,),
        in_specs=[
            pl.BlockSpec((fe, be), lambda i: (0, i)),
            pl.BlockSpec((fe, be),
                         lambda i: (0, jnp.minimum(i + hi0, last_real))),
            pl.BlockSpec((fe, hm), lambda i: (0, 0)),
            pl.BlockSpec((1, hm), lambda i: (0, 0)),
        ],
        out_specs=pl.BlockSpec((be, 2 * hm), lambda i: (i, 0)),
        out_shape=jax.ShapeDtypeStruct((e2, 2 * hm), jnp.float32),
    )(eft, eft, Wm1[2 * d:], bm1.reshape(1, hm))

    h2c = CH // 2

    def _pack3(a):
        return jnp.concatenate(
            [a[:e2].reshape(-1, h2c), a[e2:].reshape(-1, h2c)],
            axis=1).reshape(nw, ep // (nw * CH), CH).astype(jnp.int32)

    sp = _edge_sc(_pack3(src_p), _pack3(dst_p), _pack3(dsts_p),
                  tp_tab, tq_tab, r2_tab, npad=npad, hm=hm, ep=ep)
    sp = sp.reshape(NC, npad, SW)

    out = pl.pallas_call(
        functools.partial(_fin_kernel, hm=hm),
        grid=(n // bn,),
        in_specs=[
            pl.BlockSpec((NC, bn, SW), lambda i: (0, i, 0)),
            pl.BlockSpec((bn, d), lambda i: (i, 0)),
            pl.BlockSpec((hm, dout), lambda i: (0, 0)),
            pl.BlockSpec((1, dout), lambda i: (0, 0)),
            pl.BlockSpec((d, Wu1.shape[1]), lambda i: (0, 0)),
            pl.BlockSpec((d, Wu1.shape[1]), lambda i: (0, 0)),
            pl.BlockSpec((1, Wu1.shape[1]), lambda i: (0, 0)),
            pl.BlockSpec((Wu1.shape[1], dout), lambda i: (0, 0)),
            pl.BlockSpec((1, dout), lambda i: (0, 0)),
        ],
        out_specs=pl.BlockSpec((bn, dout), lambda i: (i, 0)),
        out_shape=jax.ShapeDtypeStruct((n, dout), jnp.float32),
    )(sp, x, Wm2, bm2.reshape(1, dout), Wu1[:d], Wu1[d:],
      bu1.reshape(1, -1), Wu2, bu2.reshape(1, dout))
    return out

# --- scband reference (transcript-rebuilt; emitter-appended) ---
"""Pipeline reference for scband-elphedge-aware-44160853737921 (READ-ONLY COPY).

The authoritative reference and input builder live on the scoring server;
editing this copy changes nothing except your own understanding.
"""

import jax, jax.numpy as jnp
import numpy as np

N, E, D, FE = 10000, 320000, 128, 16
HM, HU = 64, 64


def _lin_w(k, fan_in, fan_out):
    lim = 1.0 / np.sqrt(fan_in)
    return jax.random.uniform(k, (fan_in, fan_out), minval=-lim, maxval=lim, dtype=jnp.float32)


def _lin_b(k, fan_in, fan_out):
    lim = 1.0 / np.sqrt(fan_in)
    return jax.random.uniform(k, (fan_out,), minval=-lim, maxval=lim, dtype=jnp.float32)


def setup_inputs(seed: int = 0) -> dict:
    key = jax.random.key(seed)
    ks = jax.random.split(key, 12)
    x = jax.random.normal(ks[0], (N, D), dtype=jnp.float32)
    edge_index = jax.random.randint(ks[1], (2, E), 0, N, dtype=jnp.int32)
    edge_features = jax.random.uniform(ks[2], (E, FE), dtype=jnp.float32)
    Wm1 = _lin_w(ks[3], 2 * D + FE, HM)
    bm1 = _lin_b(ks[4], 2 * D + FE, HM)
    Wm2 = _lin_w(ks[5], HM, D)
    bm2 = _lin_b(ks[6], HM, D)
    Wu1 = _lin_w(ks[7], 2 * D, HU)
    bu1 = _lin_b(ks[8], 2 * D, HU)
    Wu2 = _lin_w(ks[9], HU, D)
    bu2 = _lin_b(ks[10], HU, D)
    return {"x": x, "edge_features": edge_features, "Wm1": Wm1, "bm1": bm1, "Wm2": Wm2, "bm2": bm2, "Wu1": Wu1, "bu1": bu1, "Wu2": Wu2, "bu2": bu2, "edge_index": edge_index}


def reference(x, edge_features, Wm1, bm1, Wm2, bm2, Wu1, bu1, Wu2, bu2, edge_index):
    src = edge_index[0]
    dst = edge_index[1]
    # gather source/destination node features per edge
    x_src = jnp.take(x, src, axis=0)
    x_dst = jnp.take(x, dst, axis=0)
    # compute_messages (use_log_edge_features=True)
    ef = jnp.log1p(edge_features)
    message_input = jnp.concatenate([x_src, x_dst, ef], axis=-1)
    h = jnp.maximum(message_input @ Wm1 + bm1, 0.0)  # dropout p=0.0 -> identity
    messages = h @ Wm2 + bm2
    # aggregate_messages: scatter-add by destination index
    aggregated = jnp.zeros((x.shape[0], messages.shape[1]), dtype=messages.dtype).at[dst].add(messages)
    # update_nodes
    update_input = jnp.concatenate([x, aggregated], axis=-1)
    h2 = jnp.maximum(update_input @ Wu1 + bu1, 0.0)
    updated_x = h2 @ Wu2 + bu2
    return updated_x

if __name__ == "__main__":
    import jax
    _d = setup_inputs()
    print(jax.jit(kernel)(*tuple(_d.values())))

</pallas_src>

<mosaic_0001>
#map = affine_map<(d0, d1) -> (0, 0, 0)>
#map1 = affine_map<(d0, d1) -> (0, 0)>
module attributes {stable_mosaic.version = 14 : i64} {
  func.func @edge_kernel(%arg0: i32, %arg1: i32, %arg2: memref<32x80x128xi32, #tpu.memory_space<hbm>>, %arg3: memref<32x80x128xi32, #tpu.memory_space<hbm>>, %arg4: memref<32x80x128xi32, #tpu.memory_space<hbm>>, %arg5: memref<10000x128xf32, #tpu.memory_space<hbm>>, %arg6: memref<10000x128xf32, #tpu.memory_space<hbm>>, %arg7: memref<163840x128xf32, #tpu.memory_space<hbm>>, %arg8: memref<20480x128xf32, #tpu.memory_space<hbm>>, %arg9: memref<8x128xi32, #tpu.memory_space<vmem>>, %arg10: memref<8x128xi32, #tpu.memory_space<vmem>>, %arg11: memref<8x128xi32, #tpu.memory_space<vmem>>, %arg12: memref<128x128xf32, #tpu.memory_space<vmem>>, %arg13: memref<128x128xf32, #tpu.memory_space<vmem>>, %arg14: memref<64x128xf32, #tpu.memory_space<vmem>>, %arg15: memref<10240x128xf32, #tpu.memory_space<vmem_shared>>, %arg16: memref<!tpu.dma_semaphore, #tpu.memory_space<semaphore_mem>>, %arg17: memref<!tpu.dma_semaphore, #tpu.memory_space<semaphore_mem>>, %arg18: memref<!tpu.dma_semaphore, #tpu.memory_space<semaphore_mem>>, %arg19: memref<!tpu.dma_semaphore, #tpu.memory_space<semaphore_mem>>, %arg20: memref<!tpu.dma_semaphore, #tpu.memory_space<semaphore_mem>>) attributes {dimension_semantics = [#tpu.dimension_semantics<core_parallel>, #tpu.dimension_semantics<subcore_parallel>], iteration_bounds = array<i64: 2, 16>, scalar_prefetch = 0 : i64, scratch_operands = 12 : i64, tpu.core_type = #tpu.core_type<sc_vector_subcore>, window_params = [{transform_indices = #map}, {transform_indices = #map}, {transform_indices = #map}, {transform_indices = #map1}, {transform_indices = #map1}, {transform_indices = #map1}, {transform_indices = #map1}]} {
    %mul3A = arith.constant 16 : i32
    %mul3A_0 = arith.muli %arg0, %mul3A : i32
    %add3A = arith.addi %mul3A_0, %arg1 : i32
    %broadcast_in_dim3A = arith.constant 0.000000e+00 : f32
    %broadcast_in_dim3A_1 = vector.broadcast %broadcast_in_dim3A : f32 to vector<16xf32>
    %scan3A = arith.constant 0 : i32
    %scan3A_2 = arith.constant 0 : i32
    %scan3A_3 = arith.constant 128 : i32
    %scan3A_4 = arith.addi %scan3A_2, %scan3A_3 : i32
    %scan3A_5 = arith.constant 1 : i32
    %scan3A_6 = scf.for %scan3A_43 = %scan3A_2 to %scan3A_4 step %scan3A_5 iter_args(%scan3A_44 = %scan3A) -> (i32)  : i32 {
      %swap3A = arith.index_cast %scan3A_43 : i32 to index
      %swap3A_45 = arith.constant 0 : index
      %swap3A_46 = tpu.vector_load %arg12[%swap3A, %swap3A_45] {strides = array<i32>} : memref<128x128xf32, #tpu.memory_space<vmem>>, vector<1x16xf32>,
      %swap3A_47 = vector.shape_cast %swap3A_46 : vector<1x16xf32> to vector<16xf32>
      %swap3A_48 = vector.shape_cast %broadcast_in_dim3A_1 : vector<16xf32> to vector<1x16xf32>
      tpu.vector_store %arg12[%swap3A, %swap3A_45], %swap3A_48 {strides = array<i32>} : memref<128x128xf32, #tpu.memory_space<vmem>>, vector<1x16xf32>,
      %swap3A_49 = arith.index_cast %scan3A_43 : i32 to index
      %swap3A_50 = arith.constant 16 : index
      %swap3A_51 = tpu.vector_load %arg12[%swap3A_49, %swap3A_50] {strides = array<i32>} : memref<128x128xf32, #tpu.memory_space<vmem>>, vector<1x16xf32>,
      %swap3A_52 = vector.shape_cast %swap3A_51 : vector<1x16xf32> to vector<16xf32>
      %swap3A_53 = vector.shape_cast %broadcast_in_dim3A_1 : vector<16xf32> to vector<1x16xf32>
      tpu.vector_store %arg12[%swap3A_49, %swap3A_50], %swap3A_53 {strides = array<i32>} : memref<128x128xf32, #tpu.memory_space<vmem>>, vector<1x16xf32>,
      %swap3A_54 = arith.index_cast %scan3A_43 : i32 to index
      %swap3A_55 = arith.constant 32 : index
      %swap3A_56 = tpu.vector_load %arg12[%swap3A_54, %swap3A_55] {strides = array<i32>} : memref<128x128xf32, #tpu.memory_space<vmem>>, vector<1x16xf32>,
      %swap3A_57 = vector.shape_cast %swap3A_56 : vector<1x16xf32> to vector<16xf32>
      %swap3A_58 = vector.shape_cast %broadcast_in_dim3A_1 : vector<16xf32> to vector<1x16xf32>
      tpu.vector_store %arg12[%swap3A_54, %swap3A_55], %swap3A_58 {strides = array<i32>} : memref<128x128xf32, #tpu.memory_space<vmem>>, vector<1x16xf32>,
      %swap3A_59 = arith.index_cast %scan3A_43 : i32 to index
      %swap3A_60 = arith.constant 48 : index
      %swap3A_61 = tpu.vector_load %arg12[%swap3A_59, %swap3A_60] {strides = array<i32>} : memref<128x128xf32, #tpu.memory_space<vmem>>, vector<1x16xf32>,
      %swap3A_62 = vector.shape_cast %swap3A_61 : vector<1x16xf32> to vector<16xf32>
      %swap3A_63 = vector.shape_cast %broadcast_in_dim3A_1 : vector<16xf32> to vector<1x16xf32>
      tpu.vector_store %arg12[%swap3A_59, %swap3A_60], %swap3A_63 {strides = array<i32>} : memref<128x128xf32, #tpu.memory_space<vmem>>, vector<1x16xf32>,
      %swap3A_64 = arith.index_cast %scan3A_43 : i32 to index
      %swap3A_65 = arith.constant 64 : index
      %swap3A_66 = tpu.vector_load %arg12[%swap3A_64, %swap3A_65] {strides = array<i32>} : memref<128x128xf32, #tpu.memory_space<vmem>>, vector<1x16xf32>,
      %swap3A_67 = vector.shape_cast %swap3A_66 : vector<1x16xf32> to vector<16xf32>
      %swap3A_68 = vector.shape_cast %broadcast_in_dim3A_1 : vector<16xf32> to vector<1x16xf32>
      tpu.vector_store %arg12[%swap3A_64, %swap3A_65], %swap3A_68 {strides = array<i32>} : memref<128x128xf32, #tpu.memory_space<vmem>>, vector<1x16xf32>,
      %swap3A_69 = arith.index_cast %scan3A_43 : i32 to index
      %swap3A_70 = arith.constant 80 : index
      %swap3A_71 = tpu.vector_load %arg12[%swap3A_69, %swap3A_70] {strides = array<i32>} : memref<128x128xf32, #tpu.memory_space<vmem>>, vector<1x16xf32>,
      %swap3A_72 = vector.shape_cast %swap3A_71 : vector<1x16xf32> to vector<16xf32>
      %swap3A_73 = vector.shape_cast %broadcast_in_dim3A_1 : vector<16xf32> to vector<1x16xf32>
      tpu.vector_store %arg12[%swap3A_69, %swap3A_70], %swap3A_73 {strides = array<i32>} : memref<128x128xf32, #tpu.memory_space<vmem>>, vector<1x16xf32>,
      %swap3A_74 = arith.index_cast %scan3A_43 : i32 to index
      %swap3A_75 = arith.constant 96 : index
      %swap3A_76 = tpu.vector_load %arg12[%swap3A_74, %swap3A_75] {strides = array<i32>} : memref<128x128xf32, #tpu.memory_space<vmem>>, vector<1x16xf32>,
      %swap3A_77 = vector.shape_cast %swap3A_76 : vector<1x16xf32> to vector<16xf32>
      %swap3A_78 = vector.shape_cast %broadcast_in_dim3A_1 : vector<16xf32> to vector<1x16xf32>
      tpu.vector_store %arg12[%swap3A_74, %swap3A_75], %swap3A_78 {strides = array<i32>} : memref<128x128xf32, #tpu.memory_space<vmem>>, vector<1x16xf32>,
      %swap3A_79 = arith.index_cast %scan3A_43 : i32 to index
      %swap3A_80 = arith.constant 112 : index
      %swap3A_81 = tpu.vector_load %arg12[%swap3A_79, %swap3A_80] {strides = array<i32>} : memref<128x128xf32, #tpu.memory_space<vmem>>, vector<1x16xf32>,
      %swap3A_82 = vector.shape_cast %swap3A_81 : vector<1x16xf32> to vector<16xf32>
      %swap3A_83 = vector.shape_cast %broadcast_in_dim3A_1 : vector<16xf32> to vector<1x16xf32>
      tpu.vector_store %arg12[%swap3A_79, %swap3A_80], %swap3A_83 {strides = array<i32>} : memref<128x128xf32, #tpu.memory_space<vmem>>, vector<1x16xf32>,
      %scan3A_84 = arith.constant 0 : i32
      scf.yield %scan3A_84 : i32
    }
    %scan3A_7 = arith.constant 128 : i32
    %mul3A_8 = arith.constant 640 : i32
    %mul3A_9 = arith.muli %arg1, %mul3A_8 : i32
    %add3A_10 = arith.constant 0 : i32
    %add3A_11 = arith.addi %mul3A_9, %add3A_10 : i32
    "tpu.region"() ({
      %run_scoped3A = tpu.sem_alloc : memref<!tpu.dma_semaphore, #tpu.memory_space<semaphore_mem>>
      %dma_start3A = arith.constant 0 : i32
      %dma_start3A_43 = tpu.memref_slice %arg15[%add3A_11, %dma_start3A] : memref<10240x128xf32, #tpu.memory_space<vmem_shared>> -> memref<128x128xf32, #tpu.memory_space<vmem_shared>>
      %dma_start3A_44 = arith.constant 0 : i32
      %dma_start3A_45 = tpu.memref_slice %arg15[%add3A_11, %dma_start3A_44] : memref<10240x128xf32, #tpu.memory_space<vmem_shared>> -> memref<128x128xf32, #tpu.memory_space<vmem_shared>>
      tpu.enqueue_dma source(%arg12 : memref<128x128xf32, #tpu.memory_space<vmem>>) target(%dma_start3A_45 : memref<128x128xf32, #tpu.memory_space<vmem_shared>>) target_semaphore(%run_scoped3A : memref<!tpu.dma_semaphore, #tpu.memory_space<semaphore_mem>>)
      %dma_wait3A = arith.constant 0 : i32
      %dma_wait3A_46 = tpu.memref_slice %arg15[%add3A_11, %dma_wait3A] : memref<10240x128xf32, #tpu.memory_space<vmem_shared>> -> memref<128x128xf32, #tpu.memory_space<vmem_shared>>
      %dma_wait3A_47 = arith.constant 0 : i32
      %dma_wait3A_48 = tpu.memref_slice %arg15[%add3A_11, %dma_wait3A_47] : memref<10240x128xf32, #tpu.memory_space<vmem_shared>> -> memref<128x128xf32, #tpu.memory_space<vmem_shared>>
      tpu.wait_dma2 semaphore(%run_scoped3A : memref<!tpu.dma_semaphore, #tpu.memory_space<semaphore_mem>>) src(%arg12 : memref<128x128xf32, #tpu.memory_space<vmem>>) dst(%dma_wait3A_48 : memref<128x128xf32, #tpu.memory_space<vmem_shared>>)
      tpu.yield
    }) : () -> ()
    %mul3A_12 = arith.constant 640 : i32
    %mul3A_13 = arith.muli %arg1, %mul3A_12 : i32
    %add3A_14 = arith.constant 128 : i32
    %add3A_15 = arith.addi %mul3A_13, %add3A_14 : i32
    "tpu.region"() ({
      %run_scoped3A = tpu.sem_alloc : memref<!tpu.dma_semaphore, #tpu.memory_space<semaphore_mem>>
      %dma_start3A = arith.constant 0 : i32
      %dma_start3A_43 = tpu.memref_slice %arg15[%add3A_15, %dma_start3A] : memref<10240x128xf32, #tpu.memory_space<vmem_shared>> -> memref<128x128xf32, #tpu.memory_space<vmem_shared>>
      %dma_start3A_44 = arith.constant 0 : i32
      %dma_start3A_45 = tpu.memref_slice %arg15[%add3A_15, %dma_start3A_44] : memref<10240x128xf32, #tpu.memory_space<vmem_shared>> -> memref<128x128xf32, #tpu.memory_space<vmem_shared>>
      tpu.enqueue_dma source(%arg12 : memref<128x128xf32, #tpu.memory_space<vmem>>) target(%dma_start3A_45 : memref<128x128xf32, #tpu.memory_space<vmem_shared>>) target_semaphore(%run_scoped3A : memref<!tpu.dma_semaphore, #tpu.memory_space<semaphore_mem>>)
      %dma_wait3A = arith.constant 0 : i32
      %dma_wait3A_46 = tpu.memref_slice %arg15[%add3A_15, %dma_wait3A] : memref<10240x128xf32, #tpu.memory_space<vmem_shared>> -> memref<128x128xf32, #tpu.memory_space<vmem_shared>>
      %dma_wait3A_47 = arith.constant 0 : i32
      %dma_wait3A_48 = tpu.memref_slice %arg15[%add3A_15, %dma_wait3A_47] : memref<10240x128xf32, #tpu.memory_space<vmem_shared>> -> memref<128x128xf32, #tpu.memory_space<vmem_shared>>
      tpu.wait_dma2 semaphore(%run_scoped3A : memref<!tpu.dma_semaphore, #tpu.memory_space<semaphore_mem>>) src(%arg12 : memref<128x128xf32, #tpu.memory_space<vmem>>) dst(%dma_wait3A_48 : memref<128x128xf32, #tpu.memory_space<vmem_shared>>)
      tpu.yield
    }) : () -> ()
    %mul3A_16 = arith.constant 640 : i32
    %mul3A_17 = arith.muli %arg1, %mul3A_16 : i32
    %add3A_18 = arith.constant 256 : i32
    %add3A_19 = arith.addi %mul3A_17, %add3A_18 : i32
    "tpu.region"() ({
      %run_scoped3A = tpu.sem_alloc : memref<!tpu.dma_semaphore, #tpu.memory_space<semaphore_mem>>
      %dma_start3A = arith.constant 0 : i32
      %dma_start3A_43 = tpu.memref_slice %arg15[%add3A_19, %dma_start3A] : memref<10240x128xf32, #tpu.memory_space<vmem_shared>> -> memref<128x128xf32, #tpu.memory_space<vmem_shared>>
      %dma_start3A_44 = arith.constant 0 : i32
      %dma_start3A_45 = tpu.memref_slice %arg15[%add3A_19, %dma_start3A_44] : memref<10240x128xf32, #tpu.memory_space<vmem_shared>> -> memref<128x128xf32, #tpu.memory_space<vmem_shared>>
      tpu.enqueue_dma source(%arg12 : memref<128x128xf32, #tpu.memory_space<vmem>>) target(%dma_start3A_45 : memref<128x128xf32, #tpu.memory_space<vmem_shared>>) target_semaphore(%run_scoped3A : memref<!tpu.dma_semaphore, #tpu.memory_space<semaphore_mem>>)
      %dma_wait3A = arith.constant 0 : i32
      %dma_wait3A_46 = tpu.memref_slice %arg15[%add3A_19, %dma_wait3A] : memref<10240x128xf32, #tpu.memory_space<vmem_shared>> -> memref<128x128xf32, #tpu.memory_space<vmem_shared>>
      %dma_wait3A_47 = arith.constant 0 : i32
      %dma_wait3A_48 = tpu.memref_slice %arg15[%add3A_19, %dma_wait3A_47] : memref<10240x128xf32, #tpu.memory_space<vmem_shared>> -> memref<128x128xf32, #tpu.memory_space<vmem_shared>>
      tpu.wait_dma2 semaphore(%run_scoped3A : memref<!tpu.dma_semaphore, #tpu.memory_space<semaphore_mem>>) src(%arg12 : memref<128x128xf32, #tpu.memory_space<vmem>>) dst(%dma_wait3A_48 : memref<128x128xf32, #tpu.memory_space<vmem_shared>>)
      tpu.yield
    }) : () -> ()
    %mul3A_20 = arith.constant 640 : i32
    %mul3A_21 = arith.muli %arg1, %mul3A_20 : i32
    %add3A_22 = arith.constant 384 : i32
    %add3A_23 = arith.addi %mul3A_21, %add3A_22 : i32
    "tpu.region"() ({
      %run_scoped3A = tpu.sem_alloc : memref<!tpu.dma_semaphore, #tpu.memory_space<semaphore_mem>>
      %dma_start3A = arith.constant 0 : i32
      %dma_start3A_43 = tpu.memref_slice %arg15[%add3A_23, %dma_start3A] : memref<10240x128xf32, #tpu.memory_space<vmem_shared>> -> memref<128x128xf32, #tpu.memory_space<vmem_shared>>
      %dma_start3A_44 = arith.constant 0 : i32
      %dma_start3A_45 = tpu.memref_slice %arg15[%add3A_23, %dma_start3A_44] : memref<10240x128xf32, #tpu.memory_space<vmem_shared>> -> memref<128x128xf32, #tpu.memory_space<vmem_shared>>
      tpu.enqueue_dma source(%arg12 : memref<128x128xf32, #tpu.memory_space<vmem>>) target(%dma_start3A_45 : memref<128x128xf32, #tpu.memory_space<vmem_shared>>) target_semaphore(%run_scoped3A : memref<!tpu.dma_semaphore, #tpu.memory_space<semaphore_mem>>)
      %dma_wait3A = arith.constant 0 : i32
      %dma_wait3A_46 = tpu.memref_slice %arg15[%add3A_23, %dma_wait3A] : memref<10240x128xf32, #tpu.memory_space<vmem_shared>> -> memref<128x128xf32, #tpu.memory_space<vmem_shared>>
      %dma_wait3A_47 = arith.constant 0 : i32
      %dma_wait3A_48 = tpu.memref_slice %arg15[%add3A_23, %dma_wait3A_47] : memref<10240x128xf32, #tpu.memory_space<vmem_shared>> -> memref<128x128xf32, #tpu.memory_space<vmem_shared>>
      tpu.wait_dma2 semaphore(%run_scoped3A : memref<!tpu.dma_semaphore, #tpu.memory_space<semaphore_mem>>) src(%arg12 : memref<128x128xf32, #tpu.memory_space<vmem>>) dst(%dma_wait3A_48 : memref<128x128xf32, #tpu.memory_space<vmem_shared>>)
      tpu.yield
    }) : () -> ()
    %mul3A_24 = arith.constant 640 : i32
    %mul3A_25 = arith.muli %arg1, %mul3A_24 : i32
    %add3A_26 = arith.constant 512 : i32
    %add3A_27 = arith.addi %mul3A_25, %add3A_26 : i32
    "tpu.region"() ({
      %run_scoped3A = tpu.sem_alloc : memref<!tpu.dma_semaphore, #tpu.memory_space<semaphore_mem>>
      %dma_start3A = arith.constant 0 : i32
      %dma_start3A_43 = tpu.memref_slice %arg15[%add3A_27, %dma_start3A] : memref<10240x128xf32, #tpu.memory_space<vmem_shared>> -> memref<128x128xf32, #tpu.memory_space<vmem_shared>>
      %dma_start3A_44 = arith.constant 0 : i32
      %dma_start3A_45 = tpu.memref_slice %arg15[%add3A_27, %dma_start3A_44] : memref<10240x128xf32, #tpu.memory_space<vmem_shared>> -> memref<128x128xf32, #tpu.memory_space<vmem_shared>>
      tpu.enqueue_dma source(%arg12 : memref<128x128xf32, #tpu.memory_space<vmem>>) target(%dma_start3A_45 : memref<128x128xf32, #tpu.memory_space<vmem_shared>>) target_semaphore(%run_scoped3A : memref<!tpu.dma_semaphore, #tpu.memory_space<semaphore_mem>>)
      %dma_wait3A = arith.constant 0 : i32
      %dma_wait3A_46 = tpu.memref_slice %arg15[%add3A_27, %dma_wait3A] : memref<10240x128xf32, #tpu.memory_space<vmem_shared>> -> memref<128x128xf32, #tpu.memory_space<vmem_shared>>
      %dma_wait3A_47 = arith.constant 0 : i32
      %dma_wait3A_48 = tpu.memref_slice %arg15[%add3A_27, %dma_wait3A_47] : memref<10240x128xf32, #tpu.memory_space<vmem_shared>> -> memref<128x128xf32, #tpu.memory_space<vmem_shared>>
      tpu.wait_dma2 semaphore(%run_scoped3A : memref<!tpu.dma_semaphore, #tpu.memory_space<semaphore_mem>>) src(%arg12 : memref<128x128xf32, #tpu.memory_space<vmem>>) dst(%dma_wait3A_48 : memref<128x128xf32, #tpu.memory_space<vmem_shared>>)
      tpu.yield
    }) : () -> ()
    %barrier3A = arith.constant 0 : index
    tpu.barrier barrier_id(%barrier3A)
    %scan3A_28 = arith.constant 0 : i32
    %scan3A_29 = arith.constant 0 : i32
    %scan3A_30 = arith.constant 10 : i32
    %scan3A_31 = arith.addi %scan3A_29, %scan3A_30 : i32
    %scan3A_32 = arith.constant 1 : i32
    %scan3A_33 = scf.for %scan3A_43 = %scan3A_29 to %scan3A_31 step %scan3A_32 iter_args(%scan3A_44 = %scan3A_28) -> (i32)  : i32 {
      %mul3A_45 = arith.constant 8 : i32
      %mul3A_46 = arith.muli %scan3A_43, %mul3A_45 : i32
      "tpu.region"() ({
        %run_scoped3A = tpu.sem_alloc : memref<!tpu.dma_semaphore, #tpu.memory_space<semaphore_mem>>
        %dma_start3A = arith.constant 0 : i32
        %dma_start3A_59 = tpu.memref_slice %arg2[%add3A, %mul3A_46, %dma_start3A] : memref<32x80x128xi32, #tpu.memory_space<hbm>> -> memref<1x8x128xi32, #tpu.memory_space<hbm>>
        %dma_start3A_60 = tpu.memref_squeeze %dma_start3A_59 : memref<1x8x128xi32, #tpu.memory_space<hbm>> -> memref<8x128xi32, #tpu.memory_space<hbm>>
        %dma_start3A_61 = arith.constant 0 : i32
        %dma_start3A_62 = tpu.memref_slice %arg2[%add3A, %mul3A_46, %dma_start3A_61] : memref<32x80x128xi32, #tpu.memory_space<hbm>> -> memref<1x8x128xi32, #tpu.memory_space<hbm>>
        %dma_start3A_63 = tpu.memref_squeeze %dma_start3A_62 : memref<1x8x128xi32, #tpu.memory_space<hbm>> -> memref<8x128xi32, #tpu.memory_space<hbm>>
        tpu.enqueue_dma source(%dma_start3A_63 : memref<8x128xi32, #tpu.memory_space<hbm>>) target(%arg9 : memref<8x128xi32, #tpu.memory_space<vmem>>) target_semaphore(%run_scoped3A : memref<!tpu.dma_semaphore, #tpu.memory_space<semaphore_mem>>)
        %dma_wait3A = arith.constant 0 : i32
        %dma_wait3A_64 = tpu.memref_slice %arg2[%add3A, %mul3A_46, %dma_wait3A] : memref<32x80x128xi32, #tpu.memory_space<hbm>> -> memref<1x8x128xi32, #tpu.memory_space<hbm>>
        %dma_wait3A_65 = tpu.memref_squeeze %dma_wait3A_64 : memref<1x8x128xi32, #tpu.memory_space<hbm>> -> memref<8x128xi32, #tpu.memory_space<hbm>>
        %dma_wait3A_66 = arith.constant 0 : i32
        %dma_wait3A_67 = tpu.memref_slice %arg2[%add3A, %mul3A_46, %dma_wait3A_66] : memref<32x80x128xi32, #tpu.memory_space<hbm>> -> memref<1x8x128xi32, #tpu.memory_space<hbm>>
        %dma_wait3A_68 = tpu.memref_squeeze %dma_wait3A_67 : memref<1x8x128xi32, #tpu.memory_space<hbm>> -> memref<8x128xi32, #tpu.memory_space<hbm>>
        tpu.wait_dma2 semaphore(%run_scoped3A : memref<!tpu.dma_semaphore, #tpu.memory_space<semaphore_mem>>) src(%dma_wait3A_68 : memref<8x128xi32, #tpu.memory_space<hbm>>) dst(%arg9 : memref<8x128xi32, #tpu.memory_space<vmem>>)
        tpu.yield
      }) : () -> ()
      %mul3A_47 = arith.constant 8 : i32
      %mul3A_48 = arith.muli %scan3A_43, %mul3A_47 : i32
      "tpu.region"() ({
        %run_scoped3A = tpu.sem_alloc : memref<!tpu.dma_semaphore, #tpu.memory_space<semaphore_mem>>
        %dma_start3A = arith.constant 0 : i32
        %dma_start3A_59 = tpu.memref_slice %arg3[%add3A, %mul3A_48, %dma_start3A] : memref<32x80x128xi32, #tpu.memory_space<hbm>> -> memref<1x8x128xi32, #tpu.memory_space<hbm>>
        %dma_start3A_60 = tpu.memref_squeeze %dma_start3A_59 : memref<1x8x128xi32, #tpu.memory_space<hbm>> -> memref<8x128xi32, #tpu.memory_space<hbm>>
        %dma_start3A_61 = arith.constant 0 : i32
        %dma_start3A_62 = tpu.memref_slice %arg3[%add3A, %mul3A_48, %dma_start3A_61] : memref<32x80x128xi32, #tpu.memory_space<hbm>> -> memref<1x8x128xi32, #tpu.memory_space<hbm>>
        %dma_start3A_63 = tpu.memref_squeeze %dma_start3A_62 : memref<1x8x128xi32, #tpu.memory_space<hbm>> -> memref<8x128xi32, #tpu.memory_space<hbm>>
        tpu.enqueue_dma source(%dma_start3A_63 : memref<8x128xi32, #tpu.memory_space<hbm>>) target(%arg10 : memref<8x128xi32, #tpu.memory_space<vmem>>) target_semaphore(%run_scoped3A : memref<!tpu.dma_semaphore, #tpu.memory_space<semaphore_mem>>)
        %dma_wait3A = arith.constant 0 : i32
        %dma_wait3A_64 = tpu.memref_slice %arg3[%add3A, %mul3A_48, %dma_wait3A] : memref<32x80x128xi32, #tpu.memory_space<hbm>> -> memref<1x8x128xi32, #tpu.memory_space<hbm>>
        %dma_wait3A_65 = tpu.memref_squeeze %dma_wait3A_64 : memref<1x8x128xi32, #tpu.memory_space<hbm>> -> memref<8x128xi32, #tpu.memory_space<hbm>>
        %dma_wait3A_66 = arith.constant 0 : i32
        %dma_wait3A_67 = tpu.memref_slice %arg3[%add3A, %mul3A_48, %dma_wait3A_66] : memref<32x80x128xi32, #tpu.memory_space<hbm>> -> memref<1x8x128xi32, #tpu.memory_space<hbm>>
        %dma_wait3A_68 = tpu.memref_squeeze %dma_wait3A_67 : memref<1x8x128xi32, #tpu.memory_space<hbm>> -> memref<8x128xi32, #tpu.memory_space<hbm>>
        tpu.wait_dma2 semaphore(%run_scoped3A : memref<!tpu.dma_semaphore, #tpu.memory_space<semaphore_mem>>) src(%dma_wait3A_68 : memref<8x128xi32, #tpu.memory_space<hbm>>) dst(%arg10 : memref<8x128xi32, #tpu.memory_space<vmem>>)
        tpu.yield
      }) : () -> ()
      %mul3A_49 = arith.constant 8 : i32
      %mul3A_50 = arith.muli %scan3A_43, %mul3A_49 : i32
      "tpu.region"() ({
        %run_scoped3A = tpu.sem_alloc : memref<!tpu.dma_semaphore, #tpu.memory_space<semaphore_mem>>
        %dma_start3A = arith.constant 0 : i32
        %dma_start3A_59 = tpu.memref_slice %arg4[%add3A, %mul3A_50, %dma_start3A] : memref<32x80x128xi32, #tpu.memory_space<hbm>> -> memref<1x8x128xi32, #tpu.memory_space<hbm>>
        %dma_start3A_60 = tpu.memref_squeeze %dma_start3A_59 : memref<1x8x128xi32, #tpu.memory_space<hbm>> -> memref<8x128xi32, #tpu.memory_space<hbm>>
        %dma_start3A_61 = arith.constant 0 : i32
        %dma_start3A_62 = tpu.memref_slice %arg4[%add3A, %mul3A_50, %dma_start3A_61] : memref<32x80x128xi32, #tpu.memory_space<hbm>> -> memref<1x8x128xi32, #tpu.memory_space<hbm>>
        %dma_start3A_63 = tpu.memref_squeeze %dma_start3A_62 : memref<1x8x128xi32, #tpu.memory_space<hbm>> -> memref<8x128xi32, #tpu.memory_space<hbm>>
        tpu.enqueue_dma source(%dma_start3A_63 : memref<8x128xi32, #tpu.memory_space<hbm>>) target(%arg11 : memref<8x128xi32, #tpu.memory_space<vmem>>) target_semaphore(%run_scoped3A : memref<!tpu.dma_semaphore, #tpu.memory_space<semaphore_mem>>)
        %dma_wait3A = arith.constant 0 : i32
        %dma_wait3A_64 = tpu.memref_slice %arg4[%add3A, %mul3A_50, %dma_wait3A] : memref<32x80x128xi32, #tpu.memory_space<hbm>> -> memref<1x8x128xi32, #tpu.memory_space<hbm>>
        %dma_wait3A_65 = tpu.memref_squeeze %dma_wait3A_64 : memref<1x8x128xi32, #tpu.memory_space<hbm>> -> memref<8x128xi32, #tpu.memory_space<hbm>>
        %dma_wait3A_66 = arith.constant 0 : i32
        %dma_wait3A_67 = tpu.memref_slice %arg4[%add3A, %mul3A_50, %dma_wait3A_66] : memref<32x80x128xi32, #tpu.memory_space<hbm>> -> memref<1x8x128xi32, #tpu.memory_space<hbm>>
        %dma_wait3A_68 = tpu.memref_squeeze %dma_wait3A_67 : memref<1x8x128xi32, #tpu.memory_space<hbm>> -> memref<8x128xi32, #tpu.memory_space<hbm>>
        tpu.wait_dma2 semaphore(%run_scoped3A : memref<!tpu.dma_semaphore, #tpu.memory_space<semaphore_mem>>) src(%dma_wait3A_68 : memref<8x128xi32, #tpu.memory_space<hbm>>) dst(%arg11 : memref<8x128xi32, #tpu.memory_space<vmem>>)
        tpu.yield
      }) : () -> ()
      %scan3A_51 = arith.constant 0 : i32
      %scan3A_52 = arith.constant 0 : i32
      %scan3A_53 = arith.constant 8 : i32
      %scan3A_54 = arith.addi %scan3A_52, %scan3A_53 : i32
      %scan3A_55 = arith.constant 1 : i32
      %scan3A_56 = scf.for %scan3A_59 = %scan3A_52 to %scan3A_54 step %scan3A_55 iter_args(%scan3A_60 = %scan3A_51) -> (i32)  : i32 {
        %mul3A_61 = arith.constant 80 : i32
        %mul3A_62 = arith.muli %add3A, %mul3A_61 : i32
        %mul3A_63 = arith.constant 8 : i32
        %mul3A_64 = arith.muli %scan3A_43, %mul3A_63 : i32
        %add3A_65 = arith.addi %mul3A_62, %mul3A_64 : i32
        %add3A_66 = arith.addi %add3A_65, %scan3A_59 : i32
        %mul3A_67 = arith.constant 64 : i32
        %mul3A_68 = arith.muli %add3A_66, %mul3A_67 : i32
        %dma_start3A = arith.constant 0 : i32
        %dma_start3A_69 = tpu.memref_slice %arg9[%scan3A_59, %dma_start3A] : memref<8x128xi32, #tpu.memory_space<vmem>> -> memref<1x128xi32, #tpu.memory_space<vmem>>
        %dma_start3A_70 = tpu.memref_squeeze %dma_start3A_69 : memref<1x128xi32, #tpu.memory_space<vmem>> -> memref<128xi32, #tpu.memory_space<vmem>>
        %dma_start3A_71 = arith.constant 0 : i32
        %dma_start3A_72 = arith.constant 0 : i32
        %dma_start3A_73 = tpu.memref_slice %arg5[%dma_start3A_71, %dma_start3A_72] : memref<10000x128xf32, #tpu.memory_space<hbm>> -> memref<10000x128xf32, #tpu.memory_space<hbm>>
        tpu.enqueue_indirect_dma source(%dma_start3A_73 : memref<10000x128xf32, #tpu.memory_space<hbm>>) target(%arg12 : memref<128x128xf32, #tpu.memory_space<vmem>>) offsets(%dma_start3A_70 : memref<128xi32, #tpu.memory_space<vmem>>) semaphore(%arg16 : memref<!tpu.dma_semaphore, #tpu.memory_space<semaphore_mem>>)
        %dma_start3A_74 = arith.constant 0 : i32
        %dma_start3A_75 = tpu.memref_slice %arg10[%scan3A_59, %dma_start3A_74] : memref<8x128xi32, #tpu.memory_space<vmem>> -> memref<1x128xi32, #tpu.memory_space<vmem>>
        %dma_start3A_76 = tpu.memref_squeeze %dma_start3A_75 : memref<1x128xi32, #tpu.memory_space<vmem>> -> memref<128xi32, #tpu.memory_space<vmem>>
        %dma_start3A_77 = arith.constant 0 : i32
        %dma_start3A_78 = arith.constant 0 : i32
        %dma_start3A_79 = tpu.memref_slice %arg6[%dma_start3A_77, %dma_start3A_78] : memref<10000x128xf32, #tpu.memory_space<hbm>> -> memref<10000x128xf32, #tpu.memory_space<hbm>>
        tpu.enqueue_indirect_dma source(%dma_start3A_79 : memref<10000x128xf32, #tpu.memory_space<hbm>>) target(%arg13 : memref<128x128xf32, #tpu.memory_space<vmem>>) offsets(%dma_start3A_76 : memref<128xi32, #tpu.memory_space<vmem>>) semaphore(%arg17 : memref<!tpu.dma_semaphore, #tpu.memory_space<semaphore_mem>>)
        %dma_start3A_80 = arith.constant 0 : i32
        %dma_start3A_81 = tpu.memref_slice %arg7[%mul3A_68, %dma_start3A_80] : memref<163840x128xf32, #tpu.memory_space<hbm>> -> memref<64x128xf32, #tpu.memory_space<hbm>>
        %dma_start3A_82 = arith.constant 0 : i32
        %dma_start3A_83 = tpu.memref_slice %arg7[%mul3A_68, %dma_start3A_82] : memref<163840x128xf32, #tpu.memory_space<hbm>> -> memref<64x128xf32, #tpu.memory_space<hbm>>
        tpu.enqueue_dma source(%dma_start3A_83 : memref<64x128xf32, #tpu.memory_space<hbm>>) target(%arg14 : memref<64x128xf32, #tpu.memory_space<vmem>>) target_semaphore(%arg20 : memref<!tpu.dma_semaphore, #tpu.memory_space<semaphore_mem>>)
        %dma_wait3A = arith.constant 0 : i32
        %dma_wait3A_84 = tpu.memref_slice %arg9[%scan3A_59, %dma_wait3A] : memref<8x128xi32, #tpu.memory_space<vmem>> -> memref<1x128xi32, #tpu.memory_space<vmem>>
        %dma_wait3A_85 = tpu.memref_squeeze %dma_wait3A_84 : memref<1x128xi32, #tpu.memory_space<vmem>> -> memref<128xi32, #tpu.memory_space<vmem>>
        %dma_wait3A_86 = arith.constant 0 : i32
        %dma_wait3A_87 = arith.constant 0 : i32
        %dma_wait3A_88 = tpu.memref_slice %arg5[%dma_wait3A_86, %dma_wait3A_87] : memref<10000x128xf32, #tpu.memory_space<hbm>> -> memref<10000x128xf32, #tpu.memory_space<hbm>>
        tpu.wait_indirect_dma semaphore(%arg16 : memref<!tpu.dma_semaphore, #tpu.memory_space<semaphore_mem>>) src(%dma_wait3A_88 : memref<10000x128xf32, #tpu.memory_space<hbm>>) dst(%arg12 : memref<128x128xf32, #tpu.memory_space<vmem>>)
        %dma_wait3A_89 = arith.constant 0 : i32
        %dma_wait3A_90 = tpu.memref_slice %arg10[%scan3A_59, %dma_wait3A_89] : memref<8x128xi32, #tpu.memory_space<vmem>> -> memref<1x128xi32, #tpu.memory_space<vmem>>
        %dma_wait3A_91 = tpu.memref_squeeze %dma_wait3A_90 : memref<1x128xi32, #tpu.memory_space<vmem>> -> memref<128xi32, #tpu.memory_space<vmem>>
        %dma_wait3A_92 = arith.constant 0 : i32
        %dma_wait3A_93 = arith.constant 0 : i32
        %dma_wait3A_94 = tpu.memref_slice %arg6[%dma_wait3A_92, %dma_wait3A_93] : memref<10000x128xf32, #tpu.memory_space<hbm>> -> memref<10000x128xf32, #tpu.memory_space<hbm>>
        tpu.wait_indirect_dma semaphore(%arg17 : memref<!tpu.dma_semaphore, #tpu.memory_space<semaphore_mem>>) src(%dma_wait3A_94 : memref<10000x128xf32, #tpu.memory_space<hbm>>) dst(%arg13 : memref<128x128xf32, #tpu.memory_space<vmem>>)
        %dma_wait3A_95 = arith.constant 0 : i32
        %dma_wait3A_96 = tpu.memref_slice %arg7[%mul3A_68, %dma_wait3A_95] : memref<163840x128xf32, #tpu.memory_space<hbm>> -> memref<64x128xf32, #tpu.memory_space<hbm>>
        %dma_wait3A_97 = arith.constant 0 : i32
        %dma_wait3A_98 = tpu.memref_slice %arg7[%mul3A_68, %dma_wait3A_97] : memref<163840x128xf32, #tpu.memory_space<hbm>> -> memref<64x128xf32, #tpu.memory_space<hbm>>
        tpu.wait_dma2 semaphore(%arg20 : memref<!tpu.dma_semaphore, #tpu.memory_space<semaphore_mem>>) src(%dma_wait3A_98 : memref<64x128xf32, #tpu.memory_space<hbm>>) dst(%arg14 : memref<64x128xf32, #tpu.memory_space<vmem>>)
        %scan3A_99 = arith.constant 0 : i32
        %scan3A_100 = arith.constant 0 : i32
        %scan3A_101 = arith.constant 64 : i32
        %scan3A_102 = arith.addi %scan3A_100, %scan3A_101 : i32
        %scan3A_103 = arith.constant 1 : i32
        %scan3A_104 = scf.for %scan3A_107 = %scan3A_100 to %scan3A_102 step %scan3A_103 iter_args(%scan3A_108 = %scan3A_99) -> (i32)  : i32 {
          %add3A_109 = arith.constant 0 : i32
          %add3A_110 = arith.addi %add3A_109, %scan3A_107 : i32
          %get3A = arith.index_cast %add3A_110 : i32 to index
          %get3A_111 = arith.constant 0 : index
          %get3A_112 = tpu.vector_load %arg12[%get3A, %get3A_111] {strides = array<i32>} : memref<128x128xf32, #tpu.memory_space<vmem>>, vector<1x16xf32>,
          %get3A_113 = vector.shape_cast %get3A_112 : vector<1x16xf32> to vector<16xf32>
          %get3A_114 = arith.index_cast %add3A_110 : i32 to index
          %get3A_115 = arith.constant 0 : index
          %get3A_116 = tpu.vector_load %arg13[%get3A_114, %get3A_115] {strides = array<i32>} : memref<128x128xf32, #tpu.memory_space<vmem>>, vector<1x16xf32>,
          %get3A_117 = vector.shape_cast %get3A_116 : vector<1x16xf32> to vector<16xf32>
          %add3A_118 = arith.addf %get3A_113, %get3A_117 : vector<16xf32>
          %get3A_119 = arith.index_cast %scan3A_107 : i32 to index
          %get3A_120 = arith.constant 0 : index
          %get3A_121 = tpu.vector_load %arg14[%get3A_119, %get3A_120] {strides = array<i32>} : memref<64x128xf32, #tpu.memory_space<vmem>>, vector<1x16xf32>,
          %get3A_122 = vector.shape_cast %get3A_121 : vector<1x16xf32> to vector<16xf32>
          %add3A_123 = arith.addf %add3A_118, %get3A_122 : vector<16xf32>
          %max3A = arith.constant 0.000000e+00 : f32
          %max3A_124 = vector.broadcast %max3A : f32 to vector<16xf32>
          %max3A_125 = arith.maximumf %add3A_123, %max3A_124 : vector<16xf32>
          %swap3A = arith.index_cast %add3A_110 : i32 to index
          %swap3A_126 = arith.constant 0 : index
          %swap3A_127 = tpu.vector_load %arg12[%swap3A, %swap3A_126] {strides = array<i32>} : memref<128x128xf32, #tpu.memory_space<vmem>>, vector<1x16xf32>,
          %swap3A_128 = vector.shape_cast %swap3A_127 : vector<1x16xf32> to vector<16xf32>
          %swap3A_129 = vector.shape_cast %max3A_125 : vector<16xf32> to vector<1x16xf32>
          tpu.vector_store %arg12[%swap3A, %swap3A_126], %swap3A_129 {strides = array<i32>} : memref<128x128xf32, #tpu.memory_space<vmem>>, vector<1x16xf32>,
          %get3A_130 = arith.index_cast %add3A_110 : i32 to index
          %get3A_131 = arith.constant 16 : index
          %get3A_132 = tpu.vector_load %arg12[%get3A_130, %get3A_131] {strides = array<i32>} : memref<128x128xf32, #tpu.memory_space<vmem>>, vector<1x16xf32>,
          %get3A_133 = vector.shape_cast %get3A_132 : vector<1x16xf32> to vector<16xf32>
          %get3A_134 = arith.index_cast %add3A_110 : i32 to index
          %get3A_135 = arith.constant 16 : index
          %get3A_136 = tpu.vector_load %arg13[%get3A_134, %get3A_135] {strides = array<i32>} : memref<128x128xf32, #tpu.memory_space<vmem>>, vector<1x16xf32>,
          %get3A_137 = vector.shape_cast %get3A_136 : vector<1x16xf32> to vector<16xf32>
          %add3A_138 = arith.addf %get3A_133, %get3A_137 : vector<16xf32>
          %get3A_139 = arith.index_cast %scan3A_107 : i32 to index
          %get3A_140 = arith.constant 16 : index
          %get3A_141 = tpu.vector_load %arg14[%get3A_139, %get3A_140] {strides = array<i32>} : memref<64x128xf32, #tpu.memory_space<vmem>>, vector<1x16xf32>,
          %get3A_142 = vector.shape_cast %get3A_141 : vector<1x16xf32> to vector<16xf32>
          %add3A_143 = arith.addf %add3A_138, %get3A_142 : vector<16xf32>
          %max3A_144 = arith.constant 0.000000e+00 : f32
          %max3A_145 = vector.broadcast %max3A_144 : f32 to vector<16xf32>
          %max3A_146 = arith.maximumf %add3A_143, %max3A_145 : vector<16xf32>
          %swap3A_147 = arith.index_cast %add3A_110 : i32 to index
          %swap3A_148 = arith.constant 16 : index
          %swap3A_149 = tpu.vector_load %arg12[%swap3A_147, %swap3A_148] {strides = array<i32>} : memref<128x128xf32, #tpu.memory_space<vmem>>, vector<1x16xf32>,
          %swap3A_150 = vector.shape_cast %swap3A_149 : vector<1x16xf32> to vector<16xf32>
          %swap3A_151 = vector.shape_cast %max3A_146 : vector<16xf32> to vector<1x16xf32>
          tpu.vector_store %arg12[%swap3A_147, %swap3A_148], %swap3A_151 {strides = array<i32>} : memref<128x128xf32, #tpu.memory_space<vmem>>, vector<1x16xf32>,
          %get3A_152 = arith.index_cast %add3A_110 : i32 to index
          %get3A_153 = arith.constant 32 : index
          %get3A_154 = tpu.vector_load %arg12[%get3A_152, %get3A_153] {strides = array<i32>} : memref<128x128xf32, #tpu.memory_space<vmem>>, vector<1x16xf32>,
          %get3A_155 = vector.shape_cast %get3A_154 : vector<1x16xf32> to vector<16xf32>
          %get3A_156 = arith.index_cast %add3A_110 : i32 to index
          %get3A_157 = arith.constant 32 : index
          %get3A_158 = tpu.vector_load %arg13[%get3A_156, %get3A_157] {strides = array<i32>} : memref<128x128xf32, #tpu.memory_space<vmem>>, vector<1x16xf32>,
          %get3A_159 = vector.shape_cast %get3A_158 : vector<1x16xf32> to vector<16xf32>
          %add3A_160 = arith.addf %get3A_155, %get3A_159 : vector<16xf32>
          %get3A_161 = arith.index_cast %scan3A_107 : i32 to index
          %get3A_162 = arith.constant 32 : index
          %get3A_163 = tpu.vector_load %arg14[%get3A_161, %get3A_162] {strides = array<i32>} : memref<64x128xf32, #tpu.memory_space<vmem>>, vector<1x16xf32>,
          %get3A_164 = vector.shape_cast %get3A_163 : vector<1x16xf32> to vector<16xf32>
          %add3A_165 = arith.addf %add3A_160, %get3A_164 : vector<16xf32>
          %max3A_166 = arith.constant 0.000000e+00 : f32
          %max3A_167 = vector.broadcast %max3A_166 : f32 to vector<16xf32>
          %max3A_168 = arith.maximumf %add3A_165, %max3A_167 : vector<16xf32>
          %swap3A_169 = arith.index_cast %add3A_110 : i32 to index
          %swap3A_170 = arith.constant 32 : index
          %swap3A_171 = tpu.vector_load %arg12[%swap3A_169, %swap3A_170] {strides = array<i32>} : memref<128x128xf32, #tpu.memory_space<vmem>>, vector<1x16xf32>,
          %swap3A_172 = vector.shape_cast %swap3A_171 : vector<1x16xf32> to vector<16xf32>
          %swap3A_173 = vector.shape_cast %max3A_168 : vector<16xf32> to vector<1x16xf32>
          tpu.vector_store %arg12[%swap3A_169, %swap3A_170], %swap3A_173 {strides = array<i32>} : memref<128x128xf32, #tpu.memory_space<vmem>>, vector<1x16xf32>,
          %get3A_174 = arith.index_cast %add3A_110 : i32 to index
          %get3A_175 = arith.constant 48 : index
          %get3A_176 = tpu.vector_load %arg12[%get3A_174, %get3A_175] {strides = array<i32>} : memref<128x128xf32, #tpu.memory_space<vmem>>, vector<1x16xf32>,
          %get3A_177 = vector.shape_cast %get3A_176 : vector<1x16xf32> to vector<16xf32>
          %get3A_178 = arith.index_cast %add3A_110 : i32 to index
          %get3A_179 = arith.constant 48 : index
          %get3A_180 = tpu.vector_load %arg13[%get3A_178, %get3A_179] {strides = array<i32>} : memref<128x128xf32, #tpu.memory_space<vmem>>, vector<1x16xf32>,
          %get3A_181 = vector.shape_cast %get3A_180 : vector<1x16xf32> to vector<16xf32>
          %add3A_182 = arith.addf %get3A_177, %get3A_181 : vector<16xf32>
          %get3A_183 = arith.index_cast %scan3A_107 : i32 to index
          %get3A_184 = arith.constant 48 : index
          %get3A_185 = tpu.vector_load %arg14[%get3A_183, %get3A_184] {strides = array<i32>} : memref<64x128xf32, #tpu.memory_space<vmem>>, vector<1x16xf32>,
          %get3A_186 = vector.shape_cast %get3A_185 : vector<1x16xf32> to vector<16xf32>
          %add3A_187 = arith.addf %add3A_182, %get3A_186 : vector<16xf32>
          %max3A_188 = arith.constant 0.000000e+00 : f32
          %max3A_189 = vector.broadcast %max3A_188 : f32 to vector<16xf32>
          %max3A_190 = arith.maximumf %add3A_187, %max3A_189 : vector<16xf32>
          %swap3A_191 = arith.index_cast %add3A_110 : i32 to index
          %swap3A_192 = arith.constant 48 : index
          %swap3A_193 = tpu.vector_load %arg12[%swap3A_191, %swap3A_192] {strides = array<i32>} : memref<128x128xf32, #tpu.memory_space<vmem>>, vector<1x16xf32>,
          %swap3A_194 = vector.shape_cast %swap3A_193 : vector<1x16xf32> to vector<16xf32>
          %swap3A_195 = vector.shape_cast %max3A_190 : vector<16xf32> to vector<1x16xf32>
          tpu.vector_store %arg12[%swap3A_191, %swap3A_192], %swap3A_195 {strides = array<i32>} : memref<128x128xf32, #tpu.memory_space<vmem>>, vector<1x16xf32>,
          %add3A_196 = arith.constant 64 : i32
          %add3A_197 = arith.addi %add3A_196, %scan3A_107 : i32
          %get3A_198 = arith.index_cast %add3A_197 : i32 to index
          %get3A_199 = arith.constant 0 : index
          %get3A_200 = tpu.vector_load %arg12[%get3A_198, %get3A_199] {strides = array<i32>} : memref<128x128xf32, #tpu.memory_space<vmem>>, vector<1x16xf32>,
          %get3A_201 = vector.shape_cast %get3A_200 : vector<1x16xf32> to vector<16xf32>
          %get3A_202 = arith.index_cast %add3A_197 : i32 to index
          %get3A_203 = arith.constant 0 : index
          %get3A_204 = tpu.vector_load %arg13[%get3A_202, %get3A_203] {strides = array<i32>} : memref<128x128xf32, #tpu.memory_space<vmem>>, vector<1x16xf32>,
          %get3A_205 = vector.shape_cast %get3A_204 : vector<1x16xf32> to vector<16xf32>
          %add3A_206 = arith.addf %get3A_201, %get3A_205 : vector<16xf32>
          %get3A_207 = arith.index_cast %scan3A_107 : i32 to index
          %get3A_208 = arith.constant 64 : index
          %get3A_209 = tpu.vector_load %arg14[%get3A_207, %get3A_208] {strides = array<i32>} : memref<64x128xf32, #tpu.memory_space<vmem>>, vector<1x16xf32>,
          %get3A_210 = vector.shape_cast %get3A_209 : vector<1x16xf32> to vector<16xf32>
          %add3A_211 = arith.addf %add3A_206, %get3A_210 : vector<16xf32>
          %max3A_212 = arith.constant 0.000000e+00 : f32
          %max3A_213 = vector.broadcast %max3A_212 : f32 to vector<16xf32>
          %max3A_214 = arith.maximumf %add3A_211, %max3A_213 : vector<16xf32>
          %swap3A_215 = arith.index_cast %add3A_197 : i32 to index
          %swap3A_216 = arith.constant 0 : index
          %swap3A_217 = tpu.vector_load %arg12[%swap3A_215, %swap3A_216] {strides = array<i32>} : memref<128x128xf32, #tpu.memory_space<vmem>>, vector<1x16xf32>,
          %swap3A_218 = vector.shape_cast %swap3A_217 : vector<1x16xf32> to vector<16xf32>
          %swap3A_219 = vector.shape_cast %max3A_214 : vector<16xf32> to vector<1x16xf32>
          tpu.vector_store %arg12[%swap3A_215, %swap3A_216], %swap3A_219 {strides = array<i32>} : memref<128x128xf32, #tpu.memory_space<vmem>>, vector<1x16xf32>,
          %get3A_220 = arith.index_cast %add3A_197 : i32 to index
          %get3A_221 = arith.constant 16 : index
          %get3A_222 = tpu.vector_load %arg12[%get3A_220, %get3A_221] {strides = array<i32>} : memref<128x128xf32, #tpu.memory_space<vmem>>, vector<1x16xf32>,
          %get3A_223 = vector.shape_cast %get3A_222 : vector<1x16xf32> to vector<16xf32>
          %get3A_224 = arith.index_cast %add3A_197 : i32 to index
          %get3A_225 = arith.constant 16 : index
          %get3A_226 = tpu.vector_load %arg13[%get3A_224, %get3A_225] {strides = array<i32>} : memref<128x128xf32, #tpu.memory_space<vmem>>, vector<1x16xf32>,
          %get3A_227 = vector.shape_cast %get3A_226 : vector<1x16xf32> to vector<16xf32>
          %add3A_228 = arith.addf %get3A_223, %get3A_227 : vector<16xf32>
          %get3A_229 = arith.index_cast %scan3A_107 : i32 to index
          %get3A_230 = arith.constant 80 : index
          %get3A_231 = tpu.vector_load %arg14[%get3A_229, %get3A_230] {strides = array<i32>} : memref<64x128xf32, #tpu.memory_space<vmem>>, vector<1x16xf32>,
          %get3A_232 = vector.shape_cast %get3A_231 : vector<1x16xf32> to vector<16xf32>
          %add3A_233 = arith.addf %add3A_228, %get3A_232 : vector<16xf32>
          %max3A_234 = arith.constant 0.000000e+00 : f32
          %max3A_235 = vector.broadcast %max3A_234 : f32 to vector<16xf32>
          %max3A_236 = arith.maximumf %add3A_233, %max3A_235 : vector<16xf32>
          %swap3A_237 = arith.index_cast %add3A_197 : i32 to index
          %swap3A_238 = arith.constant 16 : index
          %swap3A_239 = tpu.vector_load %arg12[%swap3A_237, %swap3A_238] {strides = array<i32>} : memref<128x128xf32, #tpu.memory_space<vmem>>, vector<1x16xf32>,
          %swap3A_240 = vector.shape_cast %swap3A_239 : vector<1x16xf32> to vector<16xf32>
          %swap3A_241 = vector.shape_cast %max3A_236 : vector<16xf32> to vector<1x16xf32>
          tpu.vector_store %arg12[%swap3A_237, %swap3A_238], %swap3A_241 {strides = array<i32>} : memref<128x128xf32, #tpu.memory_space<vmem>>, vector<1x16xf32>,
          %get3A_242 = arith.index_cast %add3A_197 : i32 to index
          %get3A_243 = arith.constant 32 : index
          %get3A_244 = tpu.vector_load %arg12[%get3A_242, %get3A_243] {strides = array<i32>} : memref<128x128xf32, #tpu.memory_space<vmem>>, vector<1x16xf32>,
          %get3A_245 = vector.shape_cast %get3A_244 : vector<1x16xf32> to vector<16xf32>
          %get3A_246 = arith.index_cast %add3A_197 : i32 to index
          %get3A_247 = arith.constant 32 : index
          %get3A_248 = tpu.vector_load %arg13[%get3A_246, %get3A_247] {strides = array<i32>} : memref<128x128xf32, #tpu.memory_space<vmem>>, vector<1x16xf32>,
          %get3A_249 = vector.shape_cast %get3A_248 : vector<1x16xf32> to vector<16xf32>
          %add3A_250 = arith.addf %get3A_245, %get3A_249 : vector<16xf32>
          %get3A_251 = arith.index_cast %scan3A_107 : i32 to index
          %get3A_252 = arith.constant 96 : index
          %get3A_253 = tpu.vector_load %arg14[%get3A_251, %get3A_252] {strides = array<i32>} : memref<64x128xf32, #tpu.memory_space<vmem>>, vector<1x16xf32>,
          %get3A_254 = vector.shape_cast %get3A_253 : vector<1x16xf32> to vector<16xf32>
          %add3A_255 = arith.addf %add3A_250, %get3A_254 : vector<16xf32>
          %max3A_256 = arith.constant 0.000000e+00 : f32
          %max3A_257 = vector.broadcast %max3A_256 : f32 to vector<16xf32>
          %max3A_258 = arith.maximumf %add3A_255, %max3A_257 : vector<16xf32>
          %swap3A_259 = arith.index_cast %add3A_197 : i32 to index
          %swap3A_260 = arith.constant 32 : index
          %swap3A_261 = tpu.vector_load %arg12[%swap3A_259, %swap3A_260] {strides = array<i32>} : memref<128x128xf32, #tpu.memory_space<vmem>>, vector<1x16xf32>,
          %swap3A_262 = vector.shape_cast %swap3A_261 : vector<1x16xf32> to vector<16xf32>
          %swap3A_263 = vector.shape_cast %max3A_258 : vector<16xf32> to vector<1x16xf32>
          tpu.vector_store %arg12[%swap3A_259, %swap3A_260], %swap3A_263 {strides = array<i32>} : memref<128x128xf32, #tpu.memory_space<vmem>>, vector<1x16xf32>,
          %get3A_264 = arith.index_cast %add3A_197 : i32 to index
          %get3A_265 = arith.constant 48 : index
          %get3A_266 = tpu.vector_load %arg12[%get3A_264, %get3A_265] {strides = array<i32>} : memref<128x128xf32, #tpu.memory_space<vmem>>, vector<1x16xf32>,
          %get3A_267 = vector.shape_cast %get3A_266 : vector<1x16xf32> to vector<16xf32>
          %get3A_268 = arith.index_cast %add3A_197 : i32 to index
          %get3A_269 = arith.constant 48 : index
          %get3A_270 = tpu.vector_load %arg13[%get3A_268, %get3A_269] {strides = array<i32>} : memref<128x128xf32, #tpu.memory_space<vmem>>, vector<1x16xf32>,
          %get3A_271 = vector.shape_cast %get3A_270 : vector<1x16xf32> to vector<16xf32>
          %add3A_272 = arith.addf %get3A_267, %get3A_271 : vector<16xf32>
          %get3A_273 = arith.index_cast %scan3A_107 : i32 to index
          %get3A_274 = arith.constant 112 : index
          %get3A_275 = tpu.vector_load %arg14[%get3A_273, %get3A_274] {strides = array<i32>} : memref<64x128xf32, #tpu.memory_space<vmem>>, vector<1x16xf32>,
          %get3A_276 = vector.shape_cast %get3A_275 : vector<1x16xf32> to vector<16xf32>
          %add3A_277 = arith.addf %add3A_272, %get3A_276 : vector<16xf32>
          %max3A_278 = arith.constant 0.000000e+00 : f32
          %max3A_279 = vector.broadcast %max3A_278 : f32 to vector<16xf32>
          %max3A_280 = arith.maximumf %add3A_277, %max3A_279 : vector<16xf32>
          %swap3A_281 = arith.index_cast %add3A_197 : i32 to index
          %swap3A_282 = arith.constant 48 : index
          %swap3A_283 = tpu.vector_load %arg12[%swap3A_281, %swap3A_282] {strides = array<i32>} : memref<128x128xf32, #tpu.memory_space<vmem>>, vector<1x16xf32>,
          %swap3A_284 = vector.shape_cast %swap3A_283 : vector<1x16xf32> to vector<16xf32>
          %swap3A_285 = vector.shape_cast %max3A_280 : vector<16xf32> to vector<1x16xf32>
          tpu.vector_store %arg12[%swap3A_281, %swap3A_282], %swap3A_285 {strides = array<i32>} : memref<128x128xf32, #tpu.memory_space<vmem>>, vector<1x16xf32>,
          %scan3A_286 = arith.constant 0 : i32
          scf.yield %scan3A_286 : i32
        }
        %scan3A_105 = arith.constant 64 : i32
        "tpu.region"() ({
          %run_scoped3A = tpu.sem_alloc : memref<!tpu.dma_semaphore, #tpu.memory_space<semaphore_mem>>
          %dma_start3A_107 = arith.constant 0 : i32
          %dma_start3A_108 = tpu.memref_slice %arg11[%scan3A_59, %dma_start3A_107] : memref<8x128xi32, #tpu.memory_space<vmem>> -> memref<1x128xi32, #tpu.memory_space<vmem>>
          %dma_start3A_109 = tpu.memref_squeeze %dma_start3A_108 : memref<1x128xi32, #tpu.memory_space<vmem>> -> memref<128xi32, #tpu.memory_space<vmem>>
          %dma_start3A_110 = arith.constant 0 : i32
          %dma_start3A_111 = arith.constant 0 : i32
          %dma_start3A_112 = tpu.memref_slice %arg15[%dma_start3A_110, %dma_start3A_111] : memref<10240x128xf32, #tpu.memory_space<vmem_shared>> -> memref<10240x128xf32, #tpu.memory_space<vmem_shared>>
          tpu.enqueue_indirect_dma source(%arg12 : memref<128x128xf32, #tpu.memory_space<vmem>>) target(%dma_start3A_112 : memref<10240x128xf32, #tpu.memory_space<vmem_shared>>) offsets(%dma_start3A_109 : memref<128xi32, #tpu.memory_space<vmem>>) semaphore(%run_scoped3A : memref<!tpu.dma_semaphore, #tpu.memory_space<semaphore_mem>>) {add = true}
          %dma_wait3A_113 = arith.constant 0 : i32
          %dma_wait3A_114 = tpu.memref_slice %arg11[%scan3A_59, %dma_wait3A_113] : memref<8x128xi32, #tpu.memory_space<vmem>> -> memref<1x128xi32, #tpu.memory_space<vmem>>
          %dma_wait3A_115 = tpu.memref_squeeze %dma_wait3A_114 : memref<1x128xi32, #tpu.memory_space<vmem>> -> memref<128xi32, #tpu.memory_space<vmem>>
          %dma_wait3A_116 = arith.constant 0 : i32
          %dma_wait3A_117 = arith.constant 0 : i32
          %dma_wait3A_118 = tpu.memref_slice %arg15[%dma_wait3A_116, %dma_wait3A_117] : memref<10240x128xf32, #tpu.memory_space<vmem_shared>> -> memref<10240x128xf32, #tpu.memory_space<vmem_shared>>
          tpu.wait_indirect_dma semaphore(%run_scoped3A : memref<!tpu.dma_semaphore, #tpu.memory_space<semaphore_mem>>) src(%arg12 : memref<128x128xf32, #tpu.memory_space<vmem>>) dst(%dma_wait3A_118 : memref<10240x128xf32, #tpu.memory_space<vmem_shared>>)
          tpu.yield
        }) : () -> ()
        %scan3A_106 = arith.constant 0 : i32
        scf.yield %scan3A_106 : i32
      }
      %scan3A_57 = arith.constant 8 : i32
      %scan3A_58 = arith.constant 0 : i32
      scf.yield %scan3A_58 : i32
    }
    %scan3A_34 = arith.constant 10 : i32
    %barrier3A_35 = arith.constant 0 : index
    tpu.barrier barrier_id(%barrier3A_35)
    %mul3A_36 = arith.constant 640 : i32
    %mul3A_37 = arith.muli %arg1, %mul3A_36 : i32
    %mul3A_38 = arith.constant 10240 : i32
    %mul3A_39 = arith.muli %arg0, %mul3A_38 : i32
    %mul3A_40 = arith.constant 640 : i32
    %mul3A_41 = arith.muli %arg1, %mul3A_40 : i32
    %add3A_42 = arith.addi %mul3A_39, %mul3A_41 : i32
    "tpu.region"() ({
      %run_scoped3A = tpu.sem_alloc : memref<!tpu.dma_semaphore, #tpu.memory_space<semaphore_mem>>
      %dma_start3A = arith.constant 0 : i32
      %dma_start3A_43 = tpu.memref_slice %arg8[%add3A_42, %dma_start3A] : memref<20480x128xf32, #tpu.memory_space<hbm>> -> memref<640x128xf32, #tpu.memory_space<hbm>>
      %dma_start3A_44 = arith.constant 0 : i32
      %dma_start3A_45 = tpu.memref_slice %arg15[%mul3A_37, %dma_start3A_44] : memref<10240x128xf32, #tpu.memory_space<vmem_shared>> -> memref<640x128xf32, #tpu.memory_space<vmem_shared>>
      tpu.enqueue_dma source(%dma_start3A_45 : memref<640x128xf32, #tpu.memory_space<vmem_shared>>) target(%dma_start3A_43 : memref<640x128xf32, #tpu.memory_space<hbm>>) target_semaphore(%run_scoped3A : memref<!tpu.dma_semaphore, #tpu.memory_space<semaphore_mem>>)
      %dma_wait3A = arith.constant 0 : i32
      %dma_wait3A_46 = tpu.memref_slice %arg8[%add3A_42, %dma_wait3A] : memref<20480x128xf32, #tpu.memory_space<hbm>> -> memref<640x128xf32, #tpu.memory_space<hbm>>
      %dma_wait3A_47 = arith.constant 0 : i32
      %dma_wait3A_48 = tpu.memref_slice %arg15[%mul3A_37, %dma_wait3A_47] : memref<10240x128xf32, #tpu.memory_space<vmem_shared>> -> memref<640x128xf32, #tpu.memory_space<vmem_shared>>
      tpu.wait_dma2 semaphore(%run_scoped3A : memref<!tpu.dma_semaphore, #tpu.memory_space<semaphore_mem>>) src(%dma_wait3A_48 : memref<640x128xf32, #tpu.memory_space<vmem_shared>>) dst(%dma_wait3A_46 : memref<640x128xf32, #tpu.memory_space<hbm>>)
      tpu.yield
    }) : () -> ()
    return
  }
}

module attributes {stable_mosaic.version = 14 : i64} {
  func.func @_t_kernel(%arg0: i32, %arg1: memref<2000x128xf32, #tpu.memory_space<vmem>>, %arg2: memref<128x64xf32, #tpu.memory_space<vmem>>, %arg3: memref<128x64xf32, #tpu.memory_space<vmem>>, %arg4: memref<2000x128xf32, #tpu.memory_space<vmem>>, %arg5: memref<2000x128xf32, #tpu.memory_space<vmem>>) attributes {dimension_semantics = [#tpu.dimension_semantics<arbitrary>], iteration_bounds = array<i64: 5>, scalar_prefetch = 0 : i64, scratch_operands = 0 : i64, tpu.core_type = #tpu.core_type<tc>, window_params = [{transform_indices = @transform_0, window_bounds = array<i64: 2000, 128>}, {pipeline_mode = #tpu.pipeline_mode<synchronous>, transform_indices = @transform_1, window_bounds = array<i64: 128, 64>}, {pipeline_mode = #tpu.pipeline_mode<synchronous>, transform_indices = @transform_2, window_bounds = array<i64: 128, 64>}, {transform_indices = @transform_3, window_bounds = array<i64: 2000, 128>}, {transform_indices = @transform_4, window_bounds = array<i64: 2000, 128>}]} {
    %get3A = arith.constant 0 : index
    %get3A_0 = arith.constant 0 : index
    %get3A_1 = vector.load %arg1[%get3A, %get3A_0] : memref<2000x128xf32, #tpu.memory_space<vmem>>, vector<2000x128xf32>
    %get3A_2 = arith.constant 0 : index
    %get3A_3 = arith.constant 0 : index
    %get3A_4 = vector.load %arg2[%get3A_2, %get3A_3] : memref<128x64xf32, #tpu.memory_space<vmem>>, vector<128x64xf32>
    %dot_general3A = arith.constant dense<0.000000e+00> : vector<2000x64xf32>
    %dot_general3A_5 = tpu.matmul %get3A_1, %get3A_4, %dot_general3A {dimension_numbers = #tpu.dot_dimension_numbers<[1], [0], [0], [1], [0, 0, 1, 1], [], []>, transpose_lhs_hint = false} : vector<2000x128xf32>, vector<128x64xf32>, vector<2000x64xf32> -> vector<2000x64xf32>
    %swap3A = arith.constant 0 : index
    %swap3A_6 = arith.constant 0 : index
    %swap3A_7 = vector.load %arg4[%swap3A, %swap3A_6] : memref<2000x128xf32, #tpu.memory_space<vmem>>, vector<2000x64xf32>
    tpu.vector_store %arg4[%swap3A, %swap3A_6], %dot_general3A_5 {strides = array<i32>} : memref<2000x128xf32, #tpu.memory_space<vmem>>, vector<2000x64xf32>,
    %iota3A = tpu.iota {dimensions = array<i32: 1>} : vector<2000x64xi32>
    %eq3A = arith.constant 0 : i32
    %eq3A_8 = vector.broadcast %eq3A : i32 to vector<2000x64xi32>
    %eq3A_9 = arith.cmpi eq, %iota3A, %eq3A_8 : vector<2000x64xi32>
    %jit3A = arith.constant 1.000000e+00 : f32
    %jit3A_10 = arith.constant 0.000000e+00 : f32
    %broadcast_in_dim3A = vector.broadcast %jit3A : f32 to vector<2000x64xf32>
    %broadcast_in_dim3A_11 = vector.broadcast %jit3A_10 : f32 to vector<2000x64xf32>
    %select_n3A = arith.select %eq3A_9, %broadcast_in_dim3A, %broadcast_in_dim3A_11 : vector<2000x64xi1>, vector<2000x64xf32>
    %swap3A_12 = arith.constant 0 : index
    %swap3A_13 = arith.constant 64 : index
    %swap3A_14 = vector.load %arg4[%swap3A_12, %swap3A_13] : memref<2000x128xf32, #tpu.memory_space<vmem>>, vector<2000x64xf32>
    tpu.vector_store %arg4[%swap3A_12, %swap3A_13], %select_n3A {strides = array<i32>} : memref<2000x128xf32, #tpu.memory_space<vmem>>, vector<2000x64xf32>,
    %get3A_15 = arith.constant 0 : index
    %get3A_16 = arith.constant 0 : index
    %get3A_17 = vector.load %arg3[%get3A_15, %get3A_16] : memref<128x64xf32, #tpu.memory_space<vmem>>, vector<128x64xf32>
    %dot_general3A_18 = arith.constant dense<0.000000e+00> : vector<2000x64xf32>
    %dot_general3A_19 = tpu.matmul %get3A_1, %get3A_17, %dot_general3A_18 {dimension_numbers = #tpu.dot_dimension_numbers<[1], [0], [0], [1], [0, 0, 1, 1], [], []>, transpose_lhs_hint = false} : vector<2000x128xf32>, vector<128x64xf32>, vector<2000x64xf32> -> vector<2000x64xf32>
    %swap3A_20 = arith.constant 0 : index
    %swap3A_21 = arith.constant 0 : index
    %swap3A_22 = vector.load %arg5[%swap3A_20, %swap3A_21] : memref<2000x128xf32, #tpu.memory_space<vmem>>, vector<2000x64xf32>
    tpu.vector_store %arg5[%swap3A_20, %swap3A_21], %dot_general3A_19 {strides = array<i32>} : memref<2000x128xf32, #tpu.memory_space<vmem>>, vector<2000x64xf32>,
    %broadcast_in_dim3A_23 = arith.constant 0.000000e+00 : f32
    %broadcast_in_dim3A_24 = vector.broadcast %broadcast_in_dim3A_23 : f32 to vector<2000x64xf32>
    %swap3A_25 = arith.constant 0 : index
    %swap3A_26 = arith.constant 64 : index
    %swap3A_27 = vector.load %arg5[%swap3A_25, %swap3A_26] : memref<2000x128xf32, #tpu.memory_space<vmem>>, vector<2000x64xf32>
    tpu.vector_store %arg5[%swap3A_25, %swap3A_26], %broadcast_in_dim3A_24 {strides = array<i32>} : memref<2000x128xf32, #tpu.memory_space<vmem>>, vector<2000x64xf32>,
    return
  }
  func.func @transform_0(%arg0: i32) -> (i32, i32) {
    %c0_i32 = arith.constant 0 : i32
    %c0_i32_0 = arith.constant 0 : i32
    return %arg0, %c0_i32 : i32, i32
  }
  func.func @transform_1(%arg0: i32) -> (i32, i32) {
    %c0_i32 = arith.constant 0 : i32
    %c0_i32_0 = arith.constant 0 : i32
    %c0_i32_1 = arith.constant 0 : i32
    return %c0_i32, %c0_i32_0 : i32, i32
  }
  func.func @transform_2(%arg0: i32) -> (i32, i32) {
    %c0_i32 = arith.constant 0 : i32
    %c0_i32_0 = arith.constant 0 : i32
    %c0_i32_1 = arith.constant 0 : i32
    return %c0_i32, %c0_i32_0 : i32, i32
  }
  func.func @transform_3(%arg0: i32) -> (i32, i32) {
    %c0_i32 = arith.constant 0 : i32
    %c0_i32_0 = arith.constant 0 : i32
    return %arg0, %c0_i32 : i32, i32
  }
  func.func @transform_4(%arg0: i32) -> (i32, i32) {
    %c0_i32 = arith.constant 0 : i32
    %c0_i32_0 = arith.constant 0 : i32
    return %arg0, %c0_i32 : i32, i32
  }
}

module attributes {stable_mosaic.version = 14 : i64} {
  func.func @_r_kernel(%arg0: i32, %arg1: memref<16x1280xf32, #tpu.memory_space<vmem>>, %arg2: memref<16x1280xf32, #tpu.memory_space<vmem>>, %arg3: memref<16x64xf32, #tpu.memory_space<vmem>>, %arg4: memref<1x64xf32, #tpu.memory_space<vmem>>, %arg5: memref<1280x128xf32, #tpu.memory_space<vmem>>) attributes {dimension_semantics = [#tpu.dimension_semantics<arbitrary>], iteration_bounds = array<i64: 128>, scalar_prefetch = 0 : i64, scratch_operands = 0 : i64, tpu.core_type = #tpu.core_type<tc>, window_params = [{transform_indices = @transform_0, window_bounds = array<i64: 16, 1280>}, {transform_indices = @transform_1, window_bounds = array<i64: 16, 1280>}, {pipeline_mode = #tpu.pipeline_mode<synchronous>, transform_indices = @transform_2, window_bounds = array<i64: 16, 64>}, {pipeline_mode = #tpu.pipeline_mode<synchronous>, transform_indices = @transform_3, window_bounds = array<i64: 1, 64>}, {transform_indices = @transform_4, window_bounds = array<i64: 1280, 128>}]} {
    %get3A = arith.constant 0 : index
    %get3A_0 = arith.constant 0 : index
    %get3A_1 = vector.load %arg3[%get3A, %get3A_0] : memref<16x64xf32, #tpu.memory_space<vmem>>, vector<16x64xf32>
    %get3A_2 = arith.constant 0 : index
    %get3A_3 = arith.constant 0 : index
    %get3A_4 = vector.load %arg4[%get3A_2, %get3A_3] : memref<1x64xf32, #tpu.memory_space<vmem>>, vector<1x64xf32>
    %get3A_5 = arith.constant 0 : index
    %get3A_6 = arith.constant 0 : index
    %get3A_7 = vector.load %arg1[%get3A_5, %get3A_6] : memref<16x1280xf32, #tpu.memory_space<vmem>>, vector<16x1280xf32>
    %log1p3A = math.log1p %get3A_7 : vector<16x1280xf32>
    %dot_general3A = arith.constant dense<0.000000e+00> : vector<1280x64xf32>
    %dot_general3A_8 = tpu.matmul %log1p3A, %get3A_1, %dot_general3A {dimension_numbers = #tpu.dot_dimension_numbers<[0], [0], [1], [1], [0, 1, 1, 1], [], []>, transpose_lhs_hint = false} : vector<16x1280xf32>, vector<16x64xf32>, vector<1280x64xf32> -> vector<1280x64xf32>
    %add3A = vector.broadcast %get3A_4 : vector<1x64xf32> to vector<1280x64xf32>
    %add3A_9 = arith.addf %dot_general3A_8, %add3A : vector<1280x64xf32>
    %swap3A = arith.constant 0 : index
    %swap3A_10 = arith.constant 0 : index
    %swap3A_11 = vector.load %arg5[%swap3A, %swap3A_10] : memref<1280x128xf32, #tpu.memory_space<vmem>>, vector<1280x64xf32>
    tpu.vector_store %arg5[%swap3A, %swap3A_10], %add3A_9 {strides = array<i32>} : memref<1280x128xf32, #tpu.memory_space<vmem>>, vector<1280x64xf32>,
    %get3A_12 = arith.constant 0 : index
    %get3A_13 = arith.constant 0 : index
    %get3A_14 = vector.load %arg2[%get3A_12, %get3A_13] : memref<16x1280xf32, #tpu.memory_space<vmem>>, vector<16x1280xf32>
    %log1p3A_15 = math.log1p %get3A_14 : vector<16x1280xf32>
    %dot_general3A_16 = arith.constant dense<0.000000e+00> : vector<1280x64xf32>
    %dot_general3A_17 = tpu.matmul %log1p3A_15, %get3A_1, %dot_general3A_16 {dimension_numbers = #tpu.dot_dimension_numbers<[0], [0], [1], [1], [0, 1, 1, 1], [], []>, transpose_lhs_hint = false} : vector<16x1280xf32>, vector<16x64xf32>, vector<1280x64xf32> -> vector<1280x64xf32>
    %add3A_18 = vector.broadcast %get3A_4 : vector<1x64xf32> to vector<1280x64xf32>
    %add3A_19 = arith.addf %dot_general3A_17, %add3A_18 : vector<1280x64xf32>
    %swap3A_20 = arith.constant 0 : index
    %swap3A_21 = arith.constant 64 : index
    %swap3A_22 = vector.load %arg5[%swap3A_20, %swap3A_21] : memref<1280x128xf32, #tpu.memory_space<vmem>>, vector<1280x64xf32>
    tpu.vector_store %arg5[%swap3A_20, %swap3A_21], %add3A_19 {strides = array<i32>} : memref<1280x128xf32, #tpu.memory_space<vmem>>, vector<1280x64xf32>,
    return
  }
  func.func @transform_0(%arg0: i32) -> (i32, i32) {
    %c0_i32 = arith.constant 0 : i32
    %c0_i32_0 = arith.constant 0 : i32
    return %c0_i32, %arg0 : i32, i32
  }
  func.func @transform_1(%arg0: i32) -> (i32, i32) {
    %add3A = arith.constant 128 : i32
    %add3A_0 = arith.addi %arg0, %add3A : i32
    %min3A = arith.constant 249 : i32
    %min3A_1 = arith.minsi %add3A_0, %min3A : i32
    %c0_i32 = arith.constant 0 : i32
    %c0_i32_2 = arith.constant 0 : i32
    return %c0_i32, %min3A_1 : i32, i32
  }
  func.func @transform_2(%arg0: i32) -> (i32, i32) {
    %c0_i32 = arith.constant 0 : i32
    %c0_i32_0 = arith.constant 0 : i32
    %c0_i32_1 = arith.constant 0 : i32
    return %c0_i32, %c0_i32_0 : i32, i32
  }
  func.func @transform_3(%arg0: i32) -> (i32, i32) {
    %c0_i32 = arith.constant 0 : i32
    %c0_i32_0 = arith.constant 0 : i32
    %c0_i32_1 = arith.constant 0 : i32
    return %c0_i32, %c0_i32_0 : i32, i32
  }
  func.func @transform_4(%arg0: i32) -> (i32, i32) {
    %c0_i32 = arith.constant 0 : i32
    %c0_i32_0 = arith.constant 0 : i32
    return %arg0, %c0_i32 : i32, i32
  }
}

module attributes {stable_mosaic.version = 14 : i64} {
  func.func @_fin_kernel(%arg0: i32, %arg1: memref<2x2000x128xf32, #tpu.memory_space<vmem>>, %arg2: memref<2000x128xf32, #tpu.memory_space<vmem>>, %arg3: memref<64x128xf32, #tpu.memory_space<vmem>>, %arg4: memref<1x128xf32, #tpu.memory_space<vmem>>, %arg5: memref<128x64xf32, #tpu.memory_space<vmem>>, %arg6: memref<128x64xf32, #tpu.memory_space<vmem>>, %arg7: memref<1x64xf32, #tpu.memory_space<vmem>>, %arg8: memref<64x128xf32, #tpu.memory_space<vmem>>, %arg9: memref<1x128xf32, #tpu.memory_space<vmem>>, %arg10: memref<2000x128xf32, #tpu.memory_space<vmem>>) attributes {dimension_semantics = [#tpu.dimension_semantics<arbitrary>], iteration_bounds = array<i64: 5>, scalar_prefetch = 0 : i64, scratch_operands = 0 : i64, tpu.core_type = #tpu.core_type<tc>, window_params = [{transform_indices = @transform_0, window_bounds = array<i64: 2, 2000, 128>}, {transform_indices = @transform_1, window_bounds = array<i64: 2000, 128>}, {pipeline_mode = #tpu.pipeline_mode<synchronous>, transform_indices = @transform_2, window_bounds = array<i64: 64, 128>}, {pipeline_mode = #tpu.pipeline_mode<synchronous>, transform_indices = @transform_3, window_bounds = array<i64: 1, 128>}, {pipeline_mode = #tpu.pipeline_mode<synchronous>, transform_indices = @transform_4, window_bounds = array<i64: 128, 64>}, {pipeline_mode = #tpu.pipeline_mode<synchronous>, transform_indices = @transform_5, window_bounds = array<i64: 128, 64>}, {pipeline_mode = #tpu.pipeline_mode<synchronous>, transform_indices = @transform_6, window_bounds = array<i64: 1, 64>}, {pipeline_mode = #tpu.pipeline_mode<synchronous>, transform_indices = @transform_7, window_bounds = array<i64: 64, 128>}, {pipeline_mode = #tpu.pipeline_mode<synchronous>, transform_indices = @transform_8, window_bounds = array<i64: 1, 128>}, {transform_indices = @transform_9, window_bounds = array<i64: 2000, 128>}]} {
    %get3A = arith.constant 0 : index
    %get3A_0 = arith.constant 0 : index
    %get3A_1 = arith.constant 0 : index
    %get3A_2 = vector.load %arg1[%get3A, %get3A_0, %get3A_1] : memref<2x2000x128xf32, #tpu.memory_space<vmem>>, vector<1x2000x64xf32>
    %get3A_3 = vector.shape_cast %get3A_2 : vector<1x2000x64xf32> to vector<2000x64xf32>
    %get3A_4 = arith.constant 1 : index
    %get3A_5 = arith.constant 0 : index
    %get3A_6 = arith.constant 0 : index
    %get3A_7 = vector.load %arg1[%get3A_4, %get3A_5, %get3A_6] : memref<2x2000x128xf32, #tpu.memory_space<vmem>>, vector<1x2000x64xf32>
    %get3A_8 = vector.shape_cast %get3A_7 : vector<1x2000x64xf32> to vector<2000x64xf32>
    %add3A = arith.addf %get3A_3, %get3A_8 : vector<2000x64xf32>
    %get3A_9 = arith.constant 0 : index
    %get3A_10 = arith.constant 0 : index
    %get3A_11 = arith.constant 64 : index
    %get3A_12 = vector.load %arg1[%get3A_9, %get3A_10, %get3A_11] : memref<2x2000x128xf32, #tpu.memory_space<vmem>>, vector<1x2000x1xf32>
    %get3A_13 = vector.shape_cast %get3A_12 : vector<1x2000x1xf32> to vector<2000x1xf32>
    %get3A_14 = arith.constant 1 : index
    %get3A_15 = arith.constant 0 : index
    %get3A_16 = arith.constant 64 : index
    %get3A_17 = vector.load %arg1[%get3A_14, %get3A_15, %get3A_16] : memref<2x2000x128xf32, #tpu.memory_space<vmem>>, vector<1x2000x1xf32>
    %get3A_18 = vector.shape_cast %get3A_17 : vector<1x2000x1xf32> to vector<2000x1xf32>
    %add3A_19 = arith.addf %get3A_13, %get3A_18 : vector<2000x1xf32>
    %get3A_20 = arith.constant 0 : index
    %get3A_21 = arith.constant 0 : index
    %get3A_22 = vector.load %arg3[%get3A_20, %get3A_21] : memref<64x128xf32, #tpu.memory_space<vmem>>, vector<64x128xf32>
    %dot_general3A = arith.constant dense<0.000000e+00> : vector<2000x128xf32>
    %dot_general3A_23 = tpu.matmul %add3A, %get3A_22, %dot_general3A {dimension_numbers = #tpu.dot_dimension_numbers<[1], [0], [0], [1], [0, 0, 1, 1], [], []>, transpose_lhs_hint = false} : vector<2000x64xf32>, vector<64x128xf32>, vector<2000x128xf32> -> vector<2000x128xf32>
    %get3A_24 = arith.constant 0 : index
    %get3A_25 = arith.constant 0 : index
    %get3A_26 = vector.load %arg4[%get3A_24, %get3A_25] : memref<1x128xf32, #tpu.memory_space<vmem>>, vector<1x128xf32>
    %mul3A = vector.broadcast %add3A_19 : vector<2000x1xf32> to vector<2000x128xf32>
    %mul3A_27 = vector.broadcast %get3A_26 : vector<1x128xf32> to vector<2000x128xf32>
    %mul3A_28 = arith.mulf %mul3A, %mul3A_27 : vector<2000x128xf32>
    %add3A_29 = arith.addf %dot_general3A_23, %mul3A_28 : vector<2000x128xf32>
    %get3A_30 = arith.constant 0 : index
    %get3A_31 = arith.constant 0 : index
    %get3A_32 = vector.load %arg2[%get3A_30, %get3A_31] : memref<2000x128xf32, #tpu.memory_space<vmem>>, vector<2000x128xf32>
    %get3A_33 = arith.constant 0 : index
    %get3A_34 = arith.constant 0 : index
    %get3A_35 = vector.load %arg5[%get3A_33, %get3A_34] : memref<128x64xf32, #tpu.memory_space<vmem>>, vector<128x64xf32>
    %dot_general3A_36 = arith.constant dense<0.000000e+00> : vector<2000x64xf32>
    %dot_general3A_37 = tpu.matmul %get3A_32, %get3A_35, %dot_general3A_36 {dimension_numbers = #tpu.dot_dimension_numbers<[1], [0], [0], [1], [0, 0, 1, 1], [], []>, transpose_lhs_hint = false} : vector<2000x128xf32>, vector<128x64xf32>, vector<2000x64xf32> -> vector<2000x64xf32>
    %get3A_38 = arith.constant 0 : index
    %get3A_39 = arith.constant 0 : index
    %get3A_40 = vector.load %arg6[%get3A_38, %get3A_39] : memref<128x64xf32, #tpu.memory_space<vmem>>, vector<128x64xf32>
    %dot_general3A_41 = arith.constant dense<0.000000e+00> : vector<2000x64xf32>
    %dot_general3A_42 = tpu.matmul %add3A_29, %get3A_40, %dot_general3A_41 {dimension_numbers = #tpu.dot_dimension_numbers<[1], [0], [0], [1], [0, 0, 1, 1], [], []>, transpose_lhs_hint = false} : vector<2000x128xf32>, vector<128x64xf32>, vector<2000x64xf32> -> vector<2000x64xf32>
    %add3A_43 = arith.addf %dot_general3A_37, %dot_general3A_42 : vector<2000x64xf32>
    %get3A_44 = arith.constant 0 : index
    %get3A_45 = arith.constant 0 : index
    %get3A_46 = vector.load %arg7[%get3A_44, %get3A_45] : memref<1x64xf32, #tpu.memory_space<vmem>>, vector<1x64xf32>
    %add3A_47 = vector.broadcast %get3A_46 : vector<1x64xf32> to vector<2000x64xf32>
    %add3A_48 = arith.addf %add3A_43, %add3A_47 : vector<2000x64xf32>
    %max3A = arith.constant 0.000000e+00 : f32
    %max3A_49 = vector.broadcast %max3A : f32 to vector<2000x64xf32>
    %max3A_50 = arith.maximumf %add3A_48, %max3A_49 : vector<2000x64xf32>
    %get3A_51 = arith.constant 0 : index
    %get3A_52 = arith.constant 0 : index
    %get3A_53 = vector.load %arg8[%get3A_51, %get3A_52] : memref<64x128xf32, #tpu.memory_space<vmem>>, vector<64x128xf32>
    %dot_general3A_54 = arith.constant dense<0.000000e+00> : vector<2000x128xf32>
    %dot_general3A_55 = tpu.matmul %max3A_50, %get3A_53, %dot_general3A_54 {dimension_numbers = #tpu.dot_dimension_numbers<[1], [0], [0], [1], [0, 0, 1, 1], [], []>, transpose_lhs_hint = false} : vector<2000x64xf32>, vector<64x128xf32>, vector<2000x128xf32> -> vector<2000x128xf32>
    %get3A_56 = arith.constant 0 : index
    %get3A_57 = arith.constant 0 : index
    %get3A_58 = vector.load %arg9[%get3A_56, %get3A_57] : memref<1x128xf32, #tpu.memory_space<vmem>>, vector<1x128xf32>
    %add3A_59 = vector.broadcast %get3A_58 : vector<1x128xf32> to vector<2000x128xf32>
    %add3A_60 = arith.addf %dot_general3A_55, %add3A_59 : vector<2000x128xf32>
    %swap3A = arith.constant 0 : index
    %swap3A_61 = arith.constant 0 : index
    %swap3A_62 = vector.load %arg10[%swap3A, %swap3A_61] : memref<2000x128xf32, #tpu.memory_space<vmem>>, vector<2000x128xf32>
    tpu.vector_store %arg10[%swap3A, %swap3A_61], %add3A_60 {strides = array<i32>} : memref<2000x128xf32, #tpu.memory_space<vmem>>, vector<2000x128xf32>,
    return
  }
  func.func @transform_0(%arg0: i32) -> (i32, i32, i32) {
    %c0_i32 = arith.constant 0 : i32
    %c0_i32_0 = arith.constant 0 : i32
    %c0_i32_1 = arith.constant 0 : i32
    return %c0_i32, %arg0, %c0_i32_0 : i32, i32, i32
  }
  func.func @transform_1(%arg0: i32) -> (i32, i32) {
    %c0_i32 = arith.constant 0 : i32
    %c0_i32_0 = arith.constant 0 : i32
    return %arg0, %c0_i32 : i32, i32
  }
  func.func @transform_2(%arg0: i32) -> (i32, i32) {
    %c0_i32 = arith.constant 0 : i32
    %c0_i32_0 = arith.constant 0 : i32
    %c0_i32_1 = arith.constant 0 : i32
    return %c0_i32, %c0_i32_0 : i32, i32
  }
  func.func @transform_3(%arg0: i32) -> (i32, i32) {
    %c0_i32 = arith.constant 0 : i32
    %c0_i32_0 = arith.constant 0 : i32
    %c0_i32_1 = arith.constant 0 : i32
    return %c0_i32, %c0_i32_0 : i32, i32
  }
  func.func @transform_4(%arg0: i32) -> (i32, i32) {
    %c0_i32 = arith.constant 0 : i32
    %c0_i32_0 = arith.constant 0 : i32
    %c0_i32_1 = arith.constant 0 : i32
    return %c0_i32, %c0_i32_0 : i32, i32
  }
  func.func @transform_5(%arg0: i32) -> (i32, i32) {
    %c0_i32 = arith.constant 0 : i32
    %c0_i32_0 = arith.constant 0 : i32
    %c0_i32_1 = arith.constant 0 : i32
    return %c0_i32, %c0_i32_0 : i32, i32
  }
  func.func @transform_6(%arg0: i32) -> (i32, i32) {
    %c0_i32 = arith.constant 0 : i32
    %c0_i32_0 = arith.constant 0 : i32
    %c0_i32_1 = arith.constant 0 : i32
    return %c0_i32, %c0_i32_0 : i32, i32
  }
  func.func @transform_7(%arg0: i32) -> (i32, i32) {
    %c0_i32 = arith.constant 0 : i32
    %c0_i32_0 = arith.constant 0 : i32
    %c0_i32_1 = arith.constant 0 : i32
    return %c0_i32, %c0_i32_0 : i32, i32
  }
  func.func @transform_8(%arg0: i32) -> (i32, i32) {
    %c0_i32 = arith.constant 0 : i32
    %c0_i32_0 = arith.constant 0 : i32
    %c0_i32_1 = arith.constant 0 : i32
    return %c0_i32, %c0_i32_0 : i32, i32
  }
  func.func @transform_9(%arg0: i32) -> (i32, i32) {
    %c0_i32 = arith.constant 0 : i32
    %c0_i32_0 = arith.constant 0 : i32
    return %arg0, %c0_i32 : i32, i32
  }
}

</mosaic_0001>

<sc_bundles>
// kernel: kernel.6.cloned.1.call-start
scs
__scs_entry_jumppad:
0x0: {  	(pc) =	sbr.rel $0x88, $3  }
0x1: {  	(tag) =	ssettag $0x0;
	lr =	simm.s32 $0x1  }
0x2: {  	[smem:$0x3F96] =	sst lr;
	_ =	strace $0xD0000000  }
0x3: {  	_ = 	snop  }
0x4: {  	_ = 	snop  }
0x5: {  	_ = 	snop  }
0x6: {  	_ = 	snop  }
0x7: {  	_ = 	snop  }
__scs_overlays_trampoline_lowered:
0x8: {  	[smem:$0x3FA5] =	sst s0  }
0x9: {  	[smem:$0x3FA6] =	sst s1  }
0xa: {  	[smem:$0x3FA7] =	sst s2  }
0xb: {  	[smem:$0x3FA8] =	sst s3  }
0xc: {  	[smem:$0x3FA9] =	sst s4  }
0xd: {  	[smem:$0x3FAA] =	sst s5  }
0xe: {  	[smem:$0x3FAB] =	sst s6  }
0xf: {  	[smem:$0x3FAC] =	sst s7  }
0x10: {  	[smem:$0x3FAD] =	sst s8  }
0x11: {  	[smem:$0x3FAE] =	sst s9;
	s0 =	simm.s32 @!p0 $0x0  }
0x12: {  	s1 =	sld [smem:$0x3F94];
	s0 =	simm.s32 @p0 $0x1  }
0x13: {  	[smem:$0x3FAF] =	sst s0;
	s0 =	simm.s32 @!p1 $0x0  }
0x14: {  	s2 =	sld [smem:$0x3F93];
	s0 =	simm.s32 @p1 $0x1  }
0x15: {  	[smem:$0x3FB0] =	sst s0;
	s0 =	simm.s32 @!p2 $0x0  }
0x16: {  	s3 =	sld [smem:$0x3FDB];
	s0 =	simm.s32 @p2 $0x1  }
0x17: {  	s4 =	simm.s32 $0x1BF5;
	[smem:$0x3FB2] =	sst s0  }
0x18: {  	s0 =	sld [smem:$0x3F95];
	_ =	swait.ge [sflag:s4], $0x0  }
0x19: {  	s7 =	sld [smem:$0x3F96]  }
0x1a: {  	s8 =	sadd.s32 $0xFFFFE003, lr  }
0x1b: {  	s9 =	sadd.s32 $0xFFFFFEF7, lr;
	s5 =	simm.s32 $0xFFFFFFFF;
	p2 =	slt.u32 s8, $0xFFFFF086  }
0x1c: {  	p1 =	slt.u32 s9, $0xF7A;
	s5 =	simm.s32 @!p2 $0x0  }
0x1d: {  	s5 =	simm.s32 @p1 $0x1;
	p0 =	seq.s32 s7, s2  }
0x1e: {  	s7 =	smul.u32 @!p0 $0xF7A, s2;
	p2 =	seq.s32 @!p0 s5, $0x0  }
0x1f: {  	s9 =	smul.u32 $0xF7A, s1;
	s8 =	simm.s32 @!p0 $0x1BF5;
	p2 =	por !p2, p0  }
0x20: {  	[sflag:s8] =	ssyncset.s32 @!p0 $0xFFFFF086;
	s6 =	sadd.s32 @!p0 s3, s7;
	s7 =	simm.s32 @!p0 $0x108  }
0x21: {  	s3 =	sadd.s32 s3, s9;
	s6 =	sadd.s32 @!p0 $0x88, s6;
	s7 =	simm.s32 @p2 $0x1082  }
0x22: {  	[simem:s7], [sflag:s8] =	dma.local @!p0 [hbm:s6], $0xF7A  }
0x23: {  	s9 =	sor.u32 $0xD0000000, s2;
	s6 =	simm.s32 $0x108;
	_ =	swait.ge @!p0 [sflag:s8], $0x0  }
0x24: {  	s3 =	sadd.s32 $0x88, s3;
	s6 =	simm.s32 @!p1 $0x1082;
	[sflag:s4] =	ssyncset.s32 $0xFFFFF086  }
0x25: {  	[simem:s6], [sflag:s4] =	dma.local [hbm:s3], $0xF7A  }
0x26: {  	[smem:$0x3F96] =	sst s1;
	(tag) =	ssettag s2;
	_ =	strace s9  }
0x27: {  	s1 =	sld [smem:$0x3FA6]  }
0x28: {  	s2 =	sld [smem:$0x3FA7]  }
0x29: {  	s4 =	sld [smem:$0x3FA9]  }
0x2a: {  	p0 =	seq.s32 s5, $0x0;
	s5 =	sld [smem:$0x3FAA]  }
0x2b: {  	s6 =	sld [smem:$0x3FAB]  }
0x2c: {  	s7 =	sld [smem:$0x3FAC]  }
0x2d: {  	s3 =	simm.s32 $0x108;
	s8 =	sld [smem:$0x3FAD]  }
0x2e: {  	s3 =	simm.s32 @!p0 $0x1082;
	s9 =	sld [smem:$0x3FAE]  }
0x2f: {  	lr =	sadd.s32 s0, s3;
	s0 =	sld [smem:$0x3FA5]  }
0x30: {  	s3 =	sld [smem:$0x3FA8]  }
0x31: {  	[smem:$0x3FB1] =	sst s10  }
0x32: {  	s10 =	sld [smem:$0x3FAF];
	_ =	sdelay $0x3  }
0x33: {  	p0 =	seq.s32 s10, $0x1;
	s10 =	sld [smem:$0x3FB1];
	_ =	sdelay $0x3  }
0x34: {  	[smem:$0x3FB1] =	sst s10  }
0x35: {  	s10 =	sld [smem:$0x3FB0];
	_ =	sdelay $0x3  }
0x36: {  	p1 =	seq.s32 s10, $0x1;
	s10 =	sld [smem:$0x3FB1];
	_ =	sdelay $0x3  }
0x37: {  	[smem:$0x3FB1] =	sst s10  }
0x38: {  	s10 =	sld [smem:$0x3FB2]  }
0x39: {  	_ = 	snop;
	(pc) =	sbr.ind lr, $3  }
0x3a: {  	_ = 	snop  }
0x3b: {  	_ = 	snop  }
0x3c: {  	p2 =	seq.s32 s10, $0x1;
	s10 =	sld [smem:$0x3FB1]  }
0x3d: {  	_ =	shalt  }
0x3e: {  	_ =	shalt  }
0x3f: {  	_ =	shalt  }
0x40: {  	_ =	shalt  }
0x41: {  	_ =	shalt  }
0x42: {  	_ =	shalt  }
0x43: {  	_ =	shalt  }
0x44: {  	_ =	shalt  }
0x45: {  	_ =	shalt  }
0x46: {  	_ =	shalt  }
0x47: {  	_ =	shalt  }
0x48: {  	_ =	shalt  }
0x49: {  	_ =	shalt  }
0x4a: {  	_ =	shalt  }
0x4b: {  	_ =	shalt  }
0x4c: {  	_ =	shalt  }
0x4d: {  	_ =	shalt  }
0x4e: {  	_ =	shalt  }
0x4f: {  	_ =	shalt  }
0x50: {  	_ =	shalt  }
0x51: {  	_ =	shalt  }
0x52: {  	_ =	shalt  }
0x53: {  	_ =	shalt  }
0x54: {  	_ =	shalt  }
0x55: {  	_ =	shalt  }
0x56: {  	_ =	shalt  }
0x57: {  	_ =	shalt  }
0x58: {  	_ =	shalt  }
0x59: {  	_ =	shalt  }
0x5a: {  	_ =	shalt  }
0x5b: {  	_ =	shalt  }
0x5c: {  	_ =	shalt  }
0x5d: {  	_ =	shalt  }
0x5e: {  	_ =	shalt  }
0x5f: {  	_ =	shalt  }
0x60: {  	_ =	shalt  }
0x61: {  	_ =	shalt  }
0x62: {  	_ =	shalt  }
0x63: {  	_ =	shalt  }
0x64: {  	_ =	shalt  }
0x65: {  	_ =	shalt  }
0x66: {  	_ =	shalt  }
0x67: {  	_ =	shalt  }
0x68: {  	_ =	shalt  }
0x69: {  	_ =	shalt  }
0x6a: {  	_ =	shalt  }
0x6b: {  	_ =	shalt  }
0x6c: {  	_ =	shalt  }
0x6d: {  	_ =	shalt  }
0x6e: {  	_ =	shalt  }
0x6f: {  	_ =	shalt  }
0x70: {  	_ =	shalt  }
0x71: {  	_ =	shalt  }
0x72: {  	_ =	shalt  }
0x73: {  	_ =	shalt  }
0x74: {  	_ =	shalt  }
0x75: {  	_ =	shalt  }
0x76: {  	_ =	shalt  }
0x77: {  	_ =	shalt  }
0x78: {  	_ =	shalt  }
0x79: {  	_ =	shalt  }
0x7a: {  	_ =	shalt  }
0x7b: {  	_ =	shalt  }
0x7c: {  	_ =	shalt  }
0x7d: {  	_ =	shalt  }
0x7e: {  	_ =	shalt  }
0x7f: {  	_ =	shalt  }
0x80: {  	_ =	shalt  }
0x81: {  	_ =	shalt  }
0x82: {  	_ =	shalt  }
0x83: {  	_ =	shalt  }
0x84: {  	_ =	shalt  }
0x85: {  	_ =	shalt  }
0x86: {  	_ =	shalt  }
0x87: {  	_ =	shalt  }
.Lfunc_end0:
.L_simem_size_0:
called_computation_lowered:
.L_overlay_start_0:
0x88: {  	s2 =	sld [smem:$0x3FD9]  }
0x89: {  	s3 =	sld [smem:$0x3FFE];
	_ =	sdelay $0x1  }
0x8a: {  	s1 =	srdreg.scid  }
0x8b: {  	s0 =	sand.u32 $0x1, s1  }
0x8c: {  	s17 =	sshll.u32 s0, $0xA;
	s2 =	sadd.s32 s3, s2  }
0x8d: {  	s2 =	sadd.s32 s2, s17  }
0x8e: {  	[smem:$0x3FBD] =	sst s2  }
0x8f: {  	_ = 	snop  }
0x90: {  	s2 =	sld [smem:$0x3FD0];
	(tm) =	ssettm $0x1  }
0x91: {  	s18 =	sld [smem:$0x3FFB];
	_ =	sdelay $0x3  }
0x92: {  	_ =	strace s18  }
0x93: {  	s3 =	sld [smem:$0x3FFC];
	_ =	sdelay $0x3  }
0x94: {  	_ =	strace s3  }
0x95: {  	s3 =	sld [smem:$0x3FFD];
	_ =	sdelay $0x3  }
0x96: {  	_ =	strace s3  }
0x97: {  	_ =	strace $0x8FFFFFFF  }
0x98: {  	s19 =	sld [smem:$0x3FDB];
	_ =	sdelay $0x1  }
0x99: {  	s4 =	simm.s32 $_scs_section_size  }
0x9a: {  	s5 =	simm.s32 $_size__tile_overlayer_lowered;
	s6 =	simm.s32 $_tile_overlayer_lowered  }
0x9b: {  	s22 =	simm.s32 $0x1BFF;
	s21 =	sshll.u32 s6, $0x1;
	s3 =	sadd.s32 s4, s19  }
0x9c: {  	s7 =	simm.s32 $0x0;
	s20 =	sshll.u32 s5, $0x1;
	s5 =	sadd.s32 s21, s3  }
0x9d: {  	[timem:s7], [sflag:s22] =	dma.local [hbm:s5], s20  }
0x9e: {  	_ =	swait.ge [sflag:s22], s20  }
0x9f: {  	s4 =	ssub.s32 $0x0, s20;
	[sflag:s22] =	ssyncset.done $0x0  }
0xa0: {  	[sflag:s22] =	ssyncadd.s32 s4;
	_ =	sdelay $0x1  }
0xa1: {  	s23 =	simm.s32 $0x1B8B  }
0xa2: {  	_ =	swait.ge [sflag:s23], $0x1  }
0xa3: {  	[sflag:s23] =	ssyncset.done $0x0  }
0xa4: {  	s25 =	simm.s32 $0x1B8E;
	s24 =	sld [smem:$0x3FFE];
	[sflag:s23] =	ssyncadd.s32 $0xFFFFFFFF  }
0xa5: {  	s26 =	simm.s32 $execute0_lowered;
	[smem:$0x3FD2] =	sst s25  }
0xa6: {  	s5 =	sshll.u32 s26, $0x1;
	_ =	strace $0x80000046;
	[dreg:$0x1] =	wrdreg $0xFFFFFFFF  }
0xa7: {  	s28 =	simm.s32 $_size_execute0_lowered;
	s3 =	sadd.s32 s3, s5;
	[dreg:$0x0] =	wrdreg $0x0  }
0xa8: {  	s5 =	sshll.u32 s28, $0x1;
	[dreg:$0x2] =	wrdreg s3  }
0xa9: {  	[dreg:$0x3] =	wrdreg s5  }
0xaa: {  	[dreg:$0x4] =	wrdreg $0xC0  }
0xab: {  	_ =	task [dreg:s7], $0x5FFFF  }
0xac: {  	[dreg:$0x1] =	wrdreg $0xFFFFFFFF  }
0xad: {  	[dreg:$0x0] =	wrdreg $0x60  }
0xae: {  	[dreg:$0x2] =	wrdreg s24  }
0xaf: {  	[dreg:$0x3] =	wrdreg s2  }
0xb0: {  	[dreg:$0x4] =	wrdreg $0xAC000  }
0xb1: {  	[dreg:$0x5] =	wrdreg $0x9  }
0xb2: {  	_ =	task.clear_ibuf [dreg:s7], $0x6FFFF;
	_ =	strace $0x90000046  }
0xb3: {  	s29 =	simm.s32 $0x9;
	_ =	strace $0x80000048  }
0xb4: {  	_ =	swait.ge [sflag:s29], $0x1  }
0xb5: {  	[sflag:s29] =	ssyncadd.s32 $0xFFFFFFFF  }
0xb6: {  	_ =	strace $0x90000048  }
0xb7: {  	_ =	sfence  }
0xb8: {  	s30 =	sld [smem:$0x0];
	_ =	sdelay $0x2  }
0xb9: {  	s31 =	sshll.u32 s1, $0xD;
	s1 =	sshrl.u32 s1, $0x2  }
0xba: {  	s3 =	sand.u32 $0x4000, s31;
	s1 =	sadd.s32 s1, s30  }
0xbb: {  	s0 =	sor.u32 s3, s0;
	s1 =	sshll.u32 s1, $0x11  }
0xbc: {  	s0 =	sor.u32 s1, s0  }
0xbd: {  	s0 =	sadd.s32 $0x8F2B, s0  }
0xbe: {  	[sflag:s0] =	ssyncadd.remote.s32 $0x1  }
0xbf: {  	_ =	sfence.sel $0xFFFF  }
0xc0: {  	[dreg:$0x0] =	wrdreg $0xFFFFFFFF;
	(pc) =	sbr.abs _section_cstart, $3  }
0xc1: {  	[dreg:$0x1] =	wrdreg $0xFFFFFFFF  }
0xc2: {  	_ =	task.clear_ibuf [dreg:s7], $0x2FFFF;
	_ =	strace $0x9FFFFFFF  }
0xc3: {  	(tm) =	ssettm $0x7FFFFFFF  }
tec
execute0_lowered:
.L_overlay_start_1:
0x0: {  	(tag) =	ssettag $0x1  }
0x1: {  	s0 =	rddreg [dreg:$0x0]  }
0x2: {  	s1 =	rddreg [dreg:$0x1]  }
0x3: {  	s3 =	rddreg [dreg:$0x2];
	s4 =	simm.s32 $0x0  }
0x4: {  	s2 =	srdreg.scid;
	s13 =	stileid.u32;
	s19 =	simm.s32 $0xC00  }
0x5: {  	s20 =	simm.s32 $0x4;
	s21 =	simm.s32 $0x400;
	s22 =	simm.s32 $0x800  }
0x6: {  	s23 =	simm.s32 $0x80;
	s28 =	simm.s32 $0x2;
	s29 =	simm.s32 $0x3  }
0x7: {  	s30 =	simm.s32 $0x0;
	[smem:$0x7FF] =	sst s4;
	s2 =	sand.u32 $0x1, s2  }
0x8: {  	s9 =	smul.u32 $0x2800, s13;
	s5 =	sadd.s32 $0x16E00, s0;
	s6 =	sadd.s32 $0xCE00, s0  }
0x9: {  	s7 =	sadd.s32 $0x2E00, s0;
	s8 =	sadd.s32 $0x20E00, s0;
	s11 =	smul.u32 $0x50000, s13  }
0xa: {  	_ =	strace $0x80000047;
	s10 =	smul.u32 $0x28000, s2;
	s24 =	ssub.s32 $0x2, s2  }
0xb: {  	s2 =	sshll.u32 s2, $0x4;
	s12 =	sshrl.u32 s24, $0x1;
	s11 =	sshrl.u32 s11, $0x2  }
0xc: {  	s2 =	sor.u32 s13, s2;
	s10 =	sadd.s32 s9, s10;
	s9 =	sadd.s32 $0x48000, s0  }
0xd: {  	s13 =	smul.u32 $0x2800, s2;
	s0 =	sadd.s32 s10, s0;
	s10 =	sadd.s32 s11, s3  }
0xe: {  	s12 =	ssub.s32 s24, s12;
	s16 =	smul.u32 $0x50, s2;
	s11 =	sadd.s32 $0x4000, s10  }
0xf: {  	s24 =	simm.s32 $0x4C00;
	s25 =	sadd.s32 $0x8000, s10;
	[dreg:$0x4] =	wrdreg s11  }
0x10: {  	s18 =	smax.u32 s12, $0x1;
	s26 =	sadd.s32 $0xC000, s10;
	[dreg:$0x5] =	wrdreg s25  }
0x11: {  	s31 =	sadd.s32 $0x10000, s10;
	s17 =	sadd.s32 $0x2C8000, s0;
	[dreg:$0x6] =	wrdreg s26  }
0x12: {  	v0 =	vimm.f32 $0.0e+00;
	[dreg:$0x7] =	wrdreg s31;
	s25 =	simm.s32 $0x8C00;
	s26 =	simm.s32 $0x1  }
.LBB2_1:
0x13: {  	s0 =	simm.s32 $0x0;
	s2 =	simm.s32 $0x200  }
.LBB2_2:
0x14: {  	p0 =	sne.s32 s2, $0xFE00;
	[tilespmem:s0+$0xC70] =	vst v0  }
0x15: {  	[tilespmem:s0+$0xC00] =	vst v0  }
0x16: {  	[tilespmem:s0+$0xC10] =	vst v0  }
.Ltmp0:
0x17: {  	[tilespmem:s0+$0xC20] =	vst v0;
	(pc) =	sbr.rel @p0 .LBB2_2-.Ltmp0, $4  }
0x18: {  	[tilespmem:s0+$0xC30] =	vst v0  }
0x19: {  	[tilespmem:s0+$0xC40] =	vst v0  }
0x1a: {  	[tilespmem:s0+$0xC50] =	vst v0  }
0x1b: {  	[tilespmem:s0+$0xC60] =	vst v0;
	s0 =	sshra.s32 s2, $0x2;
	s2 =	sadd.s32 $0x200, s2  }
0x1c: {  	[tilespmem:s0+$0xC70] =	vst v0  }
0x1d: {  	[tilespmem:s0+$0xC00] =	vst v0  }
0x1e: {  	[tilespmem:s0+$0xC10] =	vst v0  }
0x1f: {  	[tilespmem:s0+$0xC20] =	vst v0  }
0x20: {  	[tilespmem:s0+$0xC30] =	vst v0  }
0x21: {  	[tilespmem:s0+$0xC40] =	vst v0  }
0x22: {  	[tilespmem:s0+$0xC50] =	vst v0  }
0x23: {  	[tilespmem:s0+$0xC60] =	vst v0  }
0x24: {  	[spmem:s10] =	stream.linear.scatter [tilespmem:s19], [sflag:$0x4], $0x4000, $0x38;
	[tilespmem:$0x1EC00] =	vst v63  }
0x25: {  	_ =	swait.ge [sflag:s20], $0x4000  }
0x26: {  	[sflag:s20] =	ssyncset.done $0x0  }
0x27: {  	s11 =	rddreg [dreg:$0x4];
	[sflag:s20] =	ssyncadd.s32 $0xFFFFC000  }
0x28: {  	[spmem:s11] =	stream.linear.scatter [tilespmem:s19], [sflag:$0x4], $0x4000, $0x38;
	[tilespmem:$0x1EC00] =	vst v63  }
0x29: {  	_ =	swait.ge [sflag:s20], $0x4000  }
0x2a: {  	[sflag:s20] =	ssyncset.done $0x0  }
0x2b: {  	s12 =	rddreg [dreg:$0x5];
	[sflag:s20] =	ssyncadd.s32 $0xFFFFC000  }
0x2c: {  	[spmem:s12] =	stream.linear.scatter [tilespmem:s19], [sflag:$0x4], $0x4000, $0x38;
	[tilespmem:$0x1EC00] =	vst v63  }
0x2d: {  	_ =	swait.ge [sflag:s20], $0x4000  }
0x2e: {  	[sflag:s20] =	ssyncset.done $0x0  }
0x2f: {  	s14 =	rddreg [dreg:$0x6];
	[sflag:s20] =	ssyncadd.s32 $0xFFFFC000  }
0x30: {  	[spmem:s14] =	stream.linear.scatter [tilespmem:s19], [sflag:$0x4], $0x4000, $0x38;
	[tilespmem:$0x1EC00] =	vst v63  }
0x31: {  	_ =	swait.ge [sflag:s20], $0x4000  }
0x32: {  	[sflag:s20] =	ssyncset.done $0x0  }
0x33: {  	s15 =	rddreg [dreg:$0x7];
	[sflag:s20] =	ssyncadd.s32 $0xFFFFC000  }
0x34: {  	[spmem:s15] =	stream.linear.scatter [tilespmem:s19], [sflag:$0x4], $0x4000, $0x38;
	[tilespmem:$0x1EC00] =	vst v63  }
0x35: {  	_ =	swait.ge [sflag:s20], $0x4000  }
0x36: {  	[sflag:s20] =	ssyncset.done $0x0  }
0x37: {  	[sflag:s20] =	ssyncadd.s32 $0xFFFFC000  }
0x38: {  	s31 =	simm.s32 $0x0;
	[bflag:$0x0] =	sbarrier.arrive $0xFFFF  }
.LBB2_4:
0x39: {  	s0 =	sshll.u32 s31, $0xA  }
0x3a: {  	s0 =	sadd.s32 s13, s0  }
0x3b: {  	s0 =	sshrl.u32 s0, $0x3  }
0x3c: {  	s2 =	sadd.s32 s5, s0  }
0x3d: {  	[tilespmem:s30], [sflag:$0x4] =	stream.linear.gather [hbm4b:s2+s30], $0x400, $0x38;
	[tilespmem:$0x1EC00] =	vst v63  }
0x3e: {  	_ =	swait.ge [sflag:s20], $0x400  }
0x3f: {  	[sflag:s20] =	ssyncset.done $0x0  }
0x40: {  	s14 =	sadd.s32 s6, s0;
	[sflag:s20] =	ssyncadd.s32 $0xFFFFFC00  }
0x41: {  	[tilespmem:s21], [sflag:$0x4] =	stream.linear.gather [hbm4b:s14+s30], $0x400, $0x38;
	[tilespmem:$0x1EC00] =	vst v63  }
0x42: {  	_ =	swait.ge [sflag:s20], $0x400  }
0x43: {  	[sflag:s20] =	ssyncset.done $0x0  }
0x44: {  	s0 =	sadd.s32 s7, s0;
	[sflag:s20] =	ssyncadd.s32 $0xFFFFFC00  }
0x45: {  	[tilespmem:s22], [sflag:$0x4] =	stream.linear.gather [hbm4b:s0+s30], $0x400, $0x38;
	[tilespmem:$0x1EC00] =	vst v63  }
0x46: {  	_ =	swait.ge [sflag:s20], $0x400  }
0x47: {  	s15 =	sshll.u32 s31, $0x3;
	[sflag:s20] =	ssyncset.done $0x0  }
0x48: {  	s2 =	simm.s32 $0x0;
	s0 =	sadd.s32 s16, s15;
	[sflag:s20] =	ssyncadd.s32 $0xFFFFFC00  }
.LBB2_5:
0x49: {  	s11 =	sshll.u32 s2, $0x7  }
0x4a: {  	[tilespmem:s19], [sflag:$0x1] =	stream.indirect.gather [hbm4b:s1+s23], $0x80, s11, s23, $0xb8;
	[tilespmem:$0x1EC00] =	vst v63  }
0x4b: {  	s15 =	sadd.s32 s0, s2;
	s12 =	sadd.s32 $0x400, s11  }
0x4c: {  	[tilespmem:s24], [sflag:$0x2] =	stream.indirect.gather [hbm4b:s8+s23], $0x80, s12, s23, $0xb8;
	[tilespmem:$0x1EC00] =	vst v63  }
0x4d: {  	s12 =	sshll.u32 s15, $0xA  }
0x4e: {  	s14 =	simm.s32 $0x0;
	s12 =	sadd.s32 s9, s12  }
0x4f: {  	[tilespmem:s25], [sflag:$0x3] =	stream.linear.gather [hbm4b:s12+s14], $0x2000, $0x38;
	[tilespmem:$0x1EC00] =	vst v63  }
0x50: {  	_ =	swait.ge [sflag:s26], $0x4000  }
0x51: {  	[sflag:s26] =	ssyncset.done $0x0  }
0x52: {  	[sflag:s26] =	ssyncadd.s32 $0xFFFFC000  }
0x53: {  	_ =	swait.ge [sflag:s28], $0x4000  }
0x54: {  	[sflag:s28] =	ssyncset.done $0x0  }
0x55: {  	[sflag:s28] =	ssyncadd.s32 $0xFFFFC000  }
0x56: {  	_ =	swait.ge [sflag:s29], $0x2000  }
0x57: {  	[sflag:s29] =	ssyncset.done $0x0  }
0x58: {  	s12 =	simm.s32 $0x0;
	[sflag:s29] =	ssyncadd.s32 $0xFFFFE000  }
0x59: {  	v5 =	vld [tilespmem:s12+$0x8C00]  }
0x5a: {  	v6 =	vld [tilespmem:s12+$0x8C10]  }
0x5b: {  	v4 =	vld [tilespmem:s12+$0x8C20]  }
0x5c: {  	v3 =	vld [tilespmem:s12+$0x8C30]  }
0x5d: {  	v2 =	vld [tilespmem:s12+$0x8C40]  }
0x5e: {  	v1 =	vld [tilespmem:s12+$0x8C50]  }
0x5f: {  	v13 =	vld [tilespmem:s12+$0x4C00]  }
0x60: {  	v18 =	vld [tilespmem:s12+$0x4C10]  }
0x61: {  	v12 =	vld [tilespmem:s12+$0x4C20]  }
0x62: {  	v11 =	vld [tilespmem:s12+$0x4C30]  }
0x63: {  	v10 =	vld [tilespmem:s12+$0x6C00]  }
0x64: {  	v9 =	vld [tilespmem:s12+$0x6C10]  }
0x65: {  	v8 =	vld [tilespmem:s12+$0x6C20]  }
0x66: {  	v7 =	vld [tilespmem:s12+$0x6C30]  }
0x67: {  	v19 =	vld [tilespmem:s12+$0xC00]  }
0x68: {  	v20 =	vld [tilespmem:s12+$0xC10]  }
0x69: {  	v17 =	vld [tilespmem:s12+$0xC20]  }
0x6a: {  	v16 =	vld [tilespmem:s12+$0xC30]  }
0x6b: {  	v15 =	vld [tilespmem:s12+$0x2C00]  }
0x6c: {  	v14 =	vld [tilespmem:s12+$0x2C10];
	v19 =	vadd.f32 v13, v19  }
0x6d: {  	s14 =	simm.s32 $0x200;
	v18 =	vadd.f32 v18, v20;
	v13 =	vld [tilespmem:s12+$0x2C20]  }
.LBB2_6:
0x6e: {  	p0 =	sne.s32 s14, $0x7E00;
	v5 =	vadd.f32 v5, v19;
	v12 =	vadd.f32 v12, v17;
	v17 =	vld [tilespmem:s12+$0x2C30]  }
0x6f: {  	v6 =	vadd.f32 v6, v18;
	v11 =	vadd.f32 v11, v16;
	v16 =	vld [tilespmem:s12+$0x8C60]  }
0x70: {  	s15 =	sshra.s32 s14, $0x2;
	v18 =	vmax.f32 v5, $0.0e+00;
	v4 =	vadd.f32 v4, v12;
	v10 =	vadd.f32 v10, v15;
	v12 =	vld [tilespmem:s12+$0x8C70]  }
0x71: {  	v5 =	vld [tilespmem:s15+$0x8C00];
	[tilespmem:s12+$0xC00] =	vst v18;
	v15 =	vmax.f32 v6, $0.0e+00;
	v3 =	vadd.f32 v3, v11;
	v9 =	vadd.f32 v9, v14  }
0x72: {  	v6 =	vld [tilespmem:s15+$0x8C10];
	[tilespmem:s12+$0xC10] =	vst v15;
	v11 =	vmax.f32 v4, $0.0e+00;
	v2 =	vadd.f32 v2, v10;
	v8 =	vadd.f32 v8, v13  }
0x73: {  	v4 =	vld [tilespmem:s15+$0x8C20];
	[tilespmem:s12+$0xC20] =	vst v11;
	v10 =	vmax.f32 v3, $0.0e+00;
	v1 =	vadd.f32 v1, v9;
	v7 =	vadd.f32 v7, v17  }
0x74: {  	v3 =	vld [tilespmem:s15+$0x8C30];
	[tilespmem:s12+$0xC30] =	vst v10;
	v9 =	vmax.f32 v2, $0.0e+00;
	v8 =	vadd.f32 v16, v8  }
0x75: {  	v2 =	vld [tilespmem:s15+$0x8C40];
	[tilespmem:s12+$0x2C00] =	vst v9;
	v9 =	vmax.f32 v1, $0.0e+00;
	v7 =	vadd.f32 v12, v7  }
0x76: {  	v1 =	vld [tilespmem:s15+$0x8C50];
	[tilespmem:s12+$0x2C10] =	vst v9;
	v8 =	vmax.f32 v8, $0.0e+00  }
0x77: {  	v13 =	vld [tilespmem:s15+$0x4C00];
	[tilespmem:s12+$0x2C20] =	vst v8;
	v7 =	vmax.f32 v7, $0.0e+00  }
0x78: {  	v18 =	vld [tilespmem:s15+$0x4C10];
	[tilespmem:s12+$0x2C30] =	vst v7;
	s12 =	smov.u32 s15  }
0x79: {  	v12 =	vld [tilespmem:s12+$0x4C20]  }
0x7a: {  	v11 =	vld [tilespmem:s12+$0x4C30]  }
0x7b: {  	v10 =	vld [tilespmem:s12+$0x6C00]  }
0x7c: {  	v9 =	vld [tilespmem:s12+$0x6C10]  }
0x7d: {  	v8 =	vld [tilespmem:s12+$0x6C20]  }
0x7e: {  	v7 =	vld [tilespmem:s12+$0x6C30]  }
0x7f: {  	v14 =	vld [tilespmem:s12+$0xC00]  }
0x80: {  	v20 =	vld [tilespmem:s12+$0xC10]  }
.Ltmp1:
0x81: {  	v17 =	vld [tilespmem:s12+$0xC20];
	(pc) =	sbr.rel @p0 .LBB2_6-.Ltmp1, $4  }
0x82: {  	v16 =	vld [tilespmem:s12+$0xC30]  }
0x83: {  	v15 =	vld [tilespmem:s12+$0x2C00]  }
0x84: {  	v19 =	vadd.f32 v13, v14;
	v14 =	vld [tilespmem:s12+$0x2C10]  }
0x85: {  	s14 =	sadd.s32 $0x200, s14;
	v18 =	vadd.f32 v18, v20;
	v13 =	vld [tilespmem:s12+$0x2C20]  }
0x86: {  	v5 =	vadd.f32 v5, v19;
	v12 =	vadd.f32 v12, v17;
	v57 =	vld [tilespmem:s12+$0x2C30]  }
0x87: {  	v58 =	vld [tilespmem:s12+$0x8C60];
	v6 =	vadd.f32 v6, v18;
	v11 =	vadd.f32 v11, v16  }
0x88: {  	v59 =	vld [tilespmem:s12+$0x8C70];
	v5 =	vmax.f32 v5, $0.0e+00;
	v4 =	vadd.f32 v4, v12;
	v10 =	vadd.f32 v10, v15  }
0x89: {  	[tilespmem:s12+$0xC00] =	vst v5;
	v60 =	vmax.f32 v6, $0.0e+00;
	v3 =	vadd.f32 v3, v11;
	v61 =	vadd.f32 v9, v14  }
0x8a: {  	[tilespmem:s12+$0xC10] =	vst v60;
	v4 =	vmax.f32 v4, $0.0e+00;
	v2 =	vadd.f32 v2, v10;
	v62 =	vadd.f32 v8, v13  }
0x8b: {  	[tilespmem:s12+$0xC20] =	vst v4;
	v3 =	vmax.f32 v3, $0.0e+00;
	v1 =	vadd.f32 v1, v61;
	v63 =	vadd.f32 v7, v57  }
0x8c: {  	[tilespmem:s12+$0xC30] =	vst v3;
	v2 =	vmax.f32 v2, $0.0e+00;
	v3 =	vadd.f32 v58, v62  }
0x8d: {  	[tilespmem:s12+$0x2C00] =	vst v2;
	v1 =	vmax.f32 v1, $0.0e+00;
	v2 =	vadd.f32 v59, v63  }
0x8e: {  	s2 =	sadd.s32 $0x1, s2;
	[tilespmem:s12+$0x2C10] =	vst v1;
	v1 =	vmax.f32 v3, $0.0e+00  }
0x8f: {  	p0 =	sne.s32 s2, $0x8;
	[tilespmem:s12+$0x2C20] =	vst v1;
	v1 =	vmax.f32 v2, $0.0e+00  }
.Ltmp2:
0x90: {  	s11 =	sadd.s32 $0x800, s11;
	[tilespmem:s12+$0x2C30] =	vst v1;
	(pc) =	sbr.rel @p0 .LBB2_5-.Ltmp2, $4  }
0x91: {  	[spmem:s3] =	stream.indirect.scatter.add.f32 [tilespmem:s19], [sflag:$0x4], $0x80, s11, s23, $0xb8;
	[tilespmem:$0x1EC00] =	vst v63  }
0x92: {  	_ =	swait.ge [sflag:s20], $0x4000  }
0x93: {  	[sflag:s20] =	ssyncset.done $0x0  }
0x94: {  	[sflag:s20] =	ssyncadd.s32 $0xFFFFC000  }
0x95: {  	s31 =	sadd.s32 $0x1, s31  }
0x96: {  	p0 =	sne.s32 s31, $0xA  }
.Ltmp3:
0x97: {  	_ = 	snop;
	(pc) =	sbr.rel @p0 .LBB2_4-.Ltmp3, $1  }
0x98: {  	_ =	sdelay $0x3  }
0x99: {  	s0 =	stileid.u32;
	s4 =	sadd.s32 $0x1, s4  }
0x9a: {  	[bflag:$0x0] =	sbarrier.arrive $0xFFFF;
	s0 =	sshll.u32 s0, $0x6;
	p0 =	sne.s32 s4, s18  }
.Ltmp4:
0x9b: {  	s2 =	sshrl.u32 s10, $0x3;
	s0 =	sor.u32 $0x1C04, s0;
	(pc) =	sbr.rel @p0 .LBB2_1-.Ltmp4, $4  }
0x9c: {  	[hbm:s17], [sflag:s0] =	dma.local [spmem:s2], $0x2800  }
0x9d: {  	_ =	swait.ge [sflag:s20], $0x2800  }
0x9e: {  	[sflag:s20] =	ssyncset.done $0x0  }
0x9f: {  	[sflag:s20] =	ssyncadd.s32 $0xFFFFD800  }
0xa0: {  	_ =	sfence.sel $0x180000  }
0xa1: {  	[bflag:$0x0] =	sbarrier.arrive $0xFFFF  }
0xa2: {  	_ =	strace $0x90000047  }
0xa3: {  	s0 =	stileid.u32;
	[bflag:$0x2] =	sbarrier.arrive $0xFFFF  }
0xa4: {  	p0 =	sne.s32 s0, $0x0;
	s0 =	rddreg [dreg:$0x3]  }
0xa5: {  	s0 =	sadd.s32 @!p0 $0x100000, s0  }
0xa6: {  	[sflag:s0] =	ssyncadd.tile.s32 @!p0 $0x1;
	_ =	shalt  }
.Lfunc_end2:
_tile_overlayer_lowered:
.L_overlay_start_2:
0xa7: {  	(tag) =	ssettag $0x2  }
0xa8: {  	s0 =	rddreg [dreg:$0x0];
	s2 =	stileid.u32  }
0xa9: {  	s1 =	rddreg [dreg:$0x1];
	p0 =	sne.s32 s2, $0x0  }
0xaa: {  	s3 =	rddreg [dreg:$0x2];
	[bflag:$0x3] =	sbarrier.arrive $0xFFFF;
	s2 =	simm.s32 @!p0 $0x1C04  }
0xab: {  	[timem:s3], [sflag:s2] =	dma.local @!p0 [hbm:s0], s1  }
0xac: {  	s0 =	simm.s32 @!p0 $0x4  }
0xad: {  	_ =	swait.ge @!p0 [sflag:s0], s1  }
0xae: {  	s1 =	ssub.s32 @!p0 $0x0, s1;
	[sflag:s0] =	ssyncset.done @!p0 $0x0  }
0xaf: {  	[sflag:s0] =	ssyncadd.s32 @!p0 s1  }
0xb0: {  	[bflag:$0x3] =	sbarrier.arrive $0xFFFF  }
0xb1: {  	_ =	shalt  }

</sc_bundles>
